<compile_context>
chip_gen: v7x
topology: tpu7x:2x2x1
jax: 0.10.2.dev20260603
libtpu: 0.0.44.dev20260713+nightly
codegen_flags: <defaults>
</compile_context>

<pallas_src>
import functools

import jax
import jax.numpy as jnp
from jax import lax
from jax.experimental import pallas as pl
from jax.experimental.pallas import tpu as pltpu
from jax.experimental.pallas import tpu_sc as plsc

_NUM_CORES = 2
_NUM_SUBCORES = 16
_NW = _NUM_CORES * _NUM_SUBCORES

_RT = 8
_W = 2048
_NBUF = 6


@functools.partial(jax.jit, static_argnums=(1, 2))
def _copy_cols(embT, d, n):
    assert d % _RT == 0
    nband = d // _RT
    n_full = n // _W
    tail = n - n_full * _W
    njobs = nband * n_full
    full = njobs // _NW
    assert full * _NW == njobs, (njobs, _NW)
    B = min(_NBUF, full) or 1
    mesh = plsc.VectorSubcoreMesh(core_axis_name="c", subcore_axis_name="s")

    tail_pieces = []
    t = tail
    while t > 0:
        p = min(512, t)
        tail_pieces.append(p)
        t -= p
    assert len(tail_pieces) * nband <= _NW

    scratch = [pltpu.VMEM((_RT, _W), embT.dtype) for _ in range(B)]
    scratch += [pltpu.SemaphoreType.DMA for _ in range(2 * B)]
    for p in sorted(set(tail_pieces)):
        scratch += [pltpu.VMEM((_RT, p), embT.dtype),
                    pltpu.SemaphoreType.DMA, pltpu.SemaphoreType.DMA]

    @functools.partial(
        pl.kernel,
        mesh=mesh,
        out_type=jax.ShapeDtypeStruct((d, n), embT.dtype),
        scratch_types=scratch,
    )
    def body(emb_hbm, out_hbm, *refs):
        bufs = refs[:B]
        rsems = refs[B:2 * B]
        wsems = refs[2 * B:3 * B]
        wid = lax.axis_index("s") * _NUM_CORES + lax.axis_index("c")

        def job_origin(slot):
            j = wid + slot * _NW
            return (j % nband) * _RT, (j // nband) * _W

        def start_read(slot):
            r0, c0 = job_origin(slot)
            return pltpu.async_copy(
                emb_hbm.at[pl.ds(r0, _RT), pl.ds(c0, _W)],
                bufs[slot % B], rsems[slot % B])

        def start_write(slot):
            r0, c0 = job_origin(slot)
            return pltpu.async_copy(
                bufs[slot % B],
                out_hbm.at[pl.ds(r0, _RT), pl.ds(c0, _W)],
                wsems[slot % B])

        S = full
        reads = [None] * S
        writes = [None] * S
        for j in range(min(B, S)):
            reads[j] = start_read(j)
        for i in range(S):
            k = i + B - 1
            if B > 1 and B <= k < S:
                writes[k - B].wait()
                reads[k] = start_read(k)
            reads[i].wait()
            writes[i] = start_write(i)
        if tail:
            widths = sorted(set(tail_pieces))
            tbufs = {w: refs[3 * B + 3 * i] for i, w in enumerate(widths)}
            tsems = {w: refs[3 * B + 3 * i + 1:3 * B + 3 * i + 3]
                     for i, w in enumerate(widths)}
            piece_off = [n_full * _W]
            for p in tail_pieces[:-1]:
                piece_off.append(piece_off[-1] + p)
            r0 = (wid % nband) * _RT
            pidx = wid // nband

            for k, p in enumerate(tail_pieces):
                tbuf = tbufs[p]
                trs, tws = tsems[p]
                c0 = piece_off[k]

                @pl.when(pidx == k)
                def _tail(tbuf=tbuf, trs=trs, tws=tws, c0=c0, p=p):
                    pltpu.async_copy(
                        emb_hbm.at[pl.ds(r0, _RT), pl.ds(c0, p)],
                        tbuf, trs).wait()
                    pltpu.async_copy(
                        tbuf, out_hbm.at[pl.ds(r0, _RT), pl.ds(c0, p)],
                        tws).wait()

        for i in range(max(0, S - B), S):
            writes[i].wait()

    return body(embT)


def kernel(emb, H):
    n, d = emb.shape
    del H
    return _copy_cols(emb.T, d, n).T

# --- scband reference (transcript-rebuilt; emitter-appended) ---
"""Pipeline reference for scband-learned-time-embedding-26156350832699 (READ-ONLY COPY).

The authoritative reference and input builder live on the scoring server;
editing this copy changes nothing except your own understanding.
"""

import jax, jax.numpy as jnp
import numpy as np

H_TABLE = 100000
D_T = 64

def setup_inputs(seed: int = 0) -> dict:
    key = jax.random.key(seed)
    k_emb, = jax.random.split(key, 1)
    emb = jax.random.normal(k_emb, (H_TABLE, D_T), dtype=jnp.float32)
    return {"emb": emb, "H": H_TABLE}

def reference(emb, H):
    # forward: idx = arange(H); return self.emb(idx)
    n = emb.shape[0]
    idx = jnp.arange(n) + (H - n)
    return jnp.take(emb, idx, axis=0)

if __name__ == "__main__":
    import jax
    _d = setup_inputs()
    print(jax.jit(kernel)(*tuple(_d.values())))

</pallas_src>

<mosaic_0001>
#map = affine_map<(d0, d1) -> (0, 0)>
module attributes {stable_mosaic.version = 14 : i64} {
  func.func @body(%arg0: i32, %arg1: i32, %arg2: memref<64x100000xf32, #tpu.memory_space<hbm>>, %arg3: memref<64x100000xf32, #tpu.memory_space<hbm>>, %arg4: memref<8x2048xf32, #tpu.memory_space<vmem>>, %arg5: memref<8x2048xf32, #tpu.memory_space<vmem>>, %arg6: memref<8x2048xf32, #tpu.memory_space<vmem>>, %arg7: memref<8x2048xf32, #tpu.memory_space<vmem>>, %arg8: memref<8x2048xf32, #tpu.memory_space<vmem>>, %arg9: memref<8x2048xf32, #tpu.memory_space<vmem>>, %arg10: memref<!tpu.dma_semaphore, #tpu.memory_space<semaphore_mem>>, %arg11: memref<!tpu.dma_semaphore, #tpu.memory_space<semaphore_mem>>, %arg12: memref<!tpu.dma_semaphore, #tpu.memory_space<semaphore_mem>>, %arg13: memref<!tpu.dma_semaphore, #tpu.memory_space<semaphore_mem>>, %arg14: memref<!tpu.dma_semaphore, #tpu.memory_space<semaphore_mem>>, %arg15: memref<!tpu.dma_semaphore, #tpu.memory_space<semaphore_mem>>, %arg16: memref<!tpu.dma_semaphore, #tpu.memory_space<semaphore_mem>>, %arg17: memref<!tpu.dma_semaphore, #tpu.memory_space<semaphore_mem>>, %arg18: memref<!tpu.dma_semaphore, #tpu.memory_space<semaphore_mem>>, %arg19: memref<!tpu.dma_semaphore, #tpu.memory_space<semaphore_mem>>, %arg20: memref<!tpu.dma_semaphore, #tpu.memory_space<semaphore_mem>>, %arg21: memref<!tpu.dma_semaphore, #tpu.memory_space<semaphore_mem>>, %arg22: memref<8x160xf32, #tpu.memory_space<vmem>>, %arg23: memref<!tpu.dma_semaphore, #tpu.memory_space<semaphore_mem>>, %arg24: memref<!tpu.dma_semaphore, #tpu.memory_space<semaphore_mem>>, %arg25: memref<8x512xf32, #tpu.memory_space<vmem>>, %arg26: memref<!tpu.dma_semaphore, #tpu.memory_space<semaphore_mem>>, %arg27: memref<!tpu.dma_semaphore, #tpu.memory_space<semaphore_mem>>) attributes {dimension_semantics = [#tpu.dimension_semantics<core_parallel>, #tpu.dimension_semantics<subcore_parallel>], iteration_bounds = array<i64: 2, 16>, scalar_prefetch = 0 : i64, scratch_operands = 24 : i64, tpu.core_type = #tpu.core_type<sc_vector_subcore>, window_params = [{transform_indices = #map}, {transform_indices = #map}]} {
    %mul3A = arith.constant 2 : i32
    %mul3A_0 = arith.muli %arg1, %mul3A : i32
    %add3A = arith.addi %mul3A_0, %arg0 : i32
    %add3A_1 = arith.constant 0 : i32
    %add3A_2 = arith.addi %add3A, %add3A_1 : i32
    %jit3A = arith.constant 8 : i32
    %eq3A = arith.constant 0 : i32
    %eq3A_3 = arith.cmpi eq, %jit3A, %eq3A : i32
    %jit3A_4 = arith.constant 1 : i32
    %select_n3A = arith.select %eq3A_3, %jit3A_4, %jit3A : i32
    %rem3A = arith.remsi %add3A_2, %select_n3A : i32
    %ne3A = arith.constant 0 : i32
    %ne3A_5 = arith.cmpi ne, %rem3A, %ne3A : i32
    %lt3A = arith.constant 0 : i32
    %lt3A_6 = arith.cmpi slt, %rem3A, %lt3A : i32
    %lt3A_7 = arith.constant 0 : i32
    %lt3A_8 = arith.cmpi slt, %select_n3A, %lt3A_7 : i32
    %ne3A_9 = arith.xori %lt3A_6, %lt3A_8 : i1
    %and3A = arith.andi %ne3A_9, %ne3A_5 : i1
    %add3A_10 = arith.addi %rem3A, %select_n3A : i32
    %select_n3A_11 = arith.select %and3A, %add3A_10, %rem3A : i32
    %mul3A_12 = arith.constant 8 : i32
    %mul3A_13 = arith.muli %select_n3A_11, %mul3A_12 : i32
    %jit3A_14 = arith.constant 8 : i32
    %div3A = arith.divsi %add3A_2, %jit3A_14 : i32
    %sign3A = arith.constant 0 : i32
    %sign3A_15 = arith.cmpi sgt, %add3A_2, %sign3A : i32
    %sign3A_16 = arith.extui %sign3A_15 : i1 to i32
    %sign3A_17 = arith.constant 0 : i32
    %sign3A_18 = arith.cmpi slt, %add3A_2, %sign3A_17 : i32
    %sign3A_19 = arith.extui %sign3A_18 : i1 to i32
    %sign3A_20 = arith.subi %sign3A_16, %sign3A_19 : i32
    %sign3A_21 = arith.constant 0 : i32
    %sign3A_22 = arith.cmpi sgt, %jit3A_14, %sign3A_21 : i32
    %sign3A_23 = arith.extui %sign3A_22 : i1 to i32
    %sign3A_24 = arith.constant 0 : i32
    %sign3A_25 = arith.cmpi slt, %jit3A_14, %sign3A_24 : i32
    %sign3A_26 = arith.extui %sign3A_25 : i1 to i32
    %sign3A_27 = arith.subi %sign3A_23, %sign3A_26 : i32
    %ne3A_28 = arith.cmpi ne, %sign3A_20, %sign3A_27 : i32
    %rem3A_29 = arith.remsi %add3A_2, %jit3A_14 : i32
    %ne3A_30 = arith.constant 0 : i32
    %ne3A_31 = arith.cmpi ne, %rem3A_29, %ne3A_30 : i32
    %and3A_32 = arith.andi %ne3A_28, %ne3A_31 : i1
    %sub3A = arith.constant 1 : i32
    %sub3A_33 = arith.subi %div3A, %sub3A : i32
    %select_n3A_34 = arith.select %and3A_32, %sub3A_33, %div3A : i32
    %mul3A_35 = arith.constant 2048 : i32
    %mul3A_36 = arith.muli %select_n3A_34, %mul3A_35 : i32
    %dma_start3A = tpu.memref_slice %arg2[%mul3A_13, %mul3A_36] : memref<64x100000xf32, #tpu.memory_space<hbm>> -> memref<8x2048xf32, #tpu.memory_space<hbm>>
    %dma_start3A_37 = tpu.memref_slice %arg2[%mul3A_13, %mul3A_36] : memref<64x100000xf32, #tpu.memory_space<hbm>> -> memref<8x2048xf32, #tpu.memory_space<hbm>>
    tpu.enqueue_dma source(%dma_start3A_37 : memref<8x2048xf32, #tpu.memory_space<hbm>>) target(%arg4 : memref<8x2048xf32, #tpu.memory_space<vmem>>) target_semaphore(%arg10 : memref<!tpu.dma_semaphore, #tpu.memory_space<semaphore_mem>>)
    %add3A_38 = arith.constant 32 : i32
    %add3A_39 = arith.addi %add3A, %add3A_38 : i32
    %jit3A_40 = arith.constant 8 : i32
    %eq3A_41 = arith.constant 0 : i32
    %eq3A_42 = arith.cmpi eq, %jit3A_40, %eq3A_41 : i32
    %jit3A_43 = arith.constant 1 : i32
    %select_n3A_44 = arith.select %eq3A_42, %jit3A_43, %jit3A_40 : i32
    %rem3A_45 = arith.remsi %add3A_39, %select_n3A_44 : i32
    %ne3A_46 = arith.constant 0 : i32
    %ne3A_47 = arith.cmpi ne, %rem3A_45, %ne3A_46 : i32
    %lt3A_48 = arith.constant 0 : i32
    %lt3A_49 = arith.cmpi slt, %rem3A_45, %lt3A_48 : i32
    %lt3A_50 = arith.constant 0 : i32
    %lt3A_51 = arith.cmpi slt, %select_n3A_44, %lt3A_50 : i32
    %ne3A_52 = arith.xori %lt3A_49, %lt3A_51 : i1
    %and3A_53 = arith.andi %ne3A_52, %ne3A_47 : i1
    %add3A_54 = arith.addi %rem3A_45, %select_n3A_44 : i32
    %select_n3A_55 = arith.select %and3A_53, %add3A_54, %rem3A_45 : i32
    %mul3A_56 = arith.constant 8 : i32
    %mul3A_57 = arith.muli %select_n3A_55, %mul3A_56 : i32
    %jit3A_58 = arith.constant 8 : i32
    %div3A_59 = arith.divsi %add3A_39, %jit3A_58 : i32
    %sign3A_60 = arith.constant 0 : i32
    %sign3A_61 = arith.cmpi sgt, %add3A_39, %sign3A_60 : i32
    %sign3A_62 = arith.extui %sign3A_61 : i1 to i32
    %sign3A_63 = arith.constant 0 : i32
    %sign3A_64 = arith.cmpi slt, %add3A_39, %sign3A_63 : i32
    %sign3A_65 = arith.extui %sign3A_64 : i1 to i32
    %sign3A_66 = arith.subi %sign3A_62, %sign3A_65 : i32
    %sign3A_67 = arith.constant 0 : i32
    %sign3A_68 = arith.cmpi sgt, %jit3A_58, %sign3A_67 : i32
    %sign3A_69 = arith.extui %sign3A_68 : i1 to i32
    %sign3A_70 = arith.constant 0 : i32
    %sign3A_71 = arith.cmpi slt, %jit3A_58, %sign3A_70 : i32
    %sign3A_72 = arith.extui %sign3A_71 : i1 to i32
    %sign3A_73 = arith.subi %sign3A_69, %sign3A_72 : i32
    %ne3A_74 = arith.cmpi ne, %sign3A_66, %sign3A_73 : i32
    %rem3A_75 = arith.remsi %add3A_39, %jit3A_58 : i32
    %ne3A_76 = arith.constant 0 : i32
    %ne3A_77 = arith.cmpi ne, %rem3A_75, %ne3A_76 : i32
    %and3A_78 = arith.andi %ne3A_74, %ne3A_77 : i1
    %sub3A_79 = arith.constant 1 : i32
    %sub3A_80 = arith.subi %div3A_59, %sub3A_79 : i32
    %select_n3A_81 = arith.select %and3A_78, %sub3A_80, %div3A_59 : i32
    %mul3A_82 = arith.constant 2048 : i32
    %mul3A_83 = arith.muli %select_n3A_81, %mul3A_82 : i32
    %dma_start3A_84 = tpu.memref_slice %arg2[%mul3A_57, %mul3A_83] : memref<64x100000xf32, #tpu.memory_space<hbm>> -> memref<8x2048xf32, #tpu.memory_space<hbm>>
    %dma_start3A_85 = tpu.memref_slice %arg2[%mul3A_57, %mul3A_83] : memref<64x100000xf32, #tpu.memory_space<hbm>> -> memref<8x2048xf32, #tpu.memory_space<hbm>>
    tpu.enqueue_dma source(%dma_start3A_85 : memref<8x2048xf32, #tpu.memory_space<hbm>>) target(%arg5 : memref<8x2048xf32, #tpu.memory_space<vmem>>) target_semaphore(%arg11 : memref<!tpu.dma_semaphore, #tpu.memory_space<semaphore_mem>>)
    %add3A_86 = arith.constant 64 : i32
    %add3A_87 = arith.addi %add3A, %add3A_86 : i32
    %jit3A_88 = arith.constant 8 : i32
    %eq3A_89 = arith.constant 0 : i32
    %eq3A_90 = arith.cmpi eq, %jit3A_88, %eq3A_89 : i32
    %jit3A_91 = arith.constant 1 : i32
    %select_n3A_92 = arith.select %eq3A_90, %jit3A_91, %jit3A_88 : i32
    %rem3A_93 = arith.remsi %add3A_87, %select_n3A_92 : i32
    %ne3A_94 = arith.constant 0 : i32
    %ne3A_95 = arith.cmpi ne, %rem3A_93, %ne3A_94 : i32
    %lt3A_96 = arith.constant 0 : i32
    %lt3A_97 = arith.cmpi slt, %rem3A_93, %lt3A_96 : i32
    %lt3A_98 = arith.constant 0 : i32
    %lt3A_99 = arith.cmpi slt, %select_n3A_92, %lt3A_98 : i32
    %ne3A_100 = arith.xori %lt3A_97, %lt3A_99 : i1
    %and3A_101 = arith.andi %ne3A_100, %ne3A_95 : i1
    %add3A_102 = arith.addi %rem3A_93, %select_n3A_92 : i32
    %select_n3A_103 = arith.select %and3A_101, %add3A_102, %rem3A_93 : i32
    %mul3A_104 = arith.constant 8 : i32
    %mul3A_105 = arith.muli %select_n3A_103, %mul3A_104 : i32
    %jit3A_106 = arith.constant 8 : i32
    %div3A_107 = arith.divsi %add3A_87, %jit3A_106 : i32
    %sign3A_108 = arith.constant 0 : i32
    %sign3A_109 = arith.cmpi sgt, %add3A_87, %sign3A_108 : i32
    %sign3A_110 = arith.extui %sign3A_109 : i1 to i32
    %sign3A_111 = arith.constant 0 : i32
    %sign3A_112 = arith.cmpi slt, %add3A_87, %sign3A_111 : i32
    %sign3A_113 = arith.extui %sign3A_112 : i1 to i32
    %sign3A_114 = arith.subi %sign3A_110, %sign3A_113 : i32
    %sign3A_115 = arith.constant 0 : i32
    %sign3A_116 = arith.cmpi sgt, %jit3A_106, %sign3A_115 : i32
    %sign3A_117 = arith.extui %sign3A_116 : i1 to i32
    %sign3A_118 = arith.constant 0 : i32
    %sign3A_119 = arith.cmpi slt, %jit3A_106, %sign3A_118 : i32
    %sign3A_120 = arith.extui %sign3A_119 : i1 to i32
    %sign3A_121 = arith.subi %sign3A_117, %sign3A_120 : i32
    %ne3A_122 = arith.cmpi ne, %sign3A_114, %sign3A_121 : i32
    %rem3A_123 = arith.remsi %add3A_87, %jit3A_106 : i32
    %ne3A_124 = arith.constant 0 : i32
    %ne3A_125 = arith.cmpi ne, %rem3A_123, %ne3A_124 : i32
    %and3A_126 = arith.andi %ne3A_122, %ne3A_125 : i1
    %sub3A_127 = arith.constant 1 : i32
    %sub3A_128 = arith.subi %div3A_107, %sub3A_127 : i32
    %select_n3A_129 = arith.select %and3A_126, %sub3A_128, %div3A_107 : i32
    %mul3A_130 = arith.constant 2048 : i32
    %mul3A_131 = arith.muli %select_n3A_129, %mul3A_130 : i32
    %dma_start3A_132 = tpu.memref_slice %arg2[%mul3A_105, %mul3A_131] : memref<64x100000xf32, #tpu.memory_space<hbm>> -> memref<8x2048xf32, #tpu.memory_space<hbm>>
    %dma_start3A_133 = tpu.memref_slice %arg2[%mul3A_105, %mul3A_131] : memref<64x100000xf32, #tpu.memory_space<hbm>> -> memref<8x2048xf32, #tpu.memory_space<hbm>>
    tpu.enqueue_dma source(%dma_start3A_133 : memref<8x2048xf32, #tpu.memory_space<hbm>>) target(%arg6 : memref<8x2048xf32, #tpu.memory_space<vmem>>) target_semaphore(%arg12 : memref<!tpu.dma_semaphore, #tpu.memory_space<semaphore_mem>>)
    %add3A_134 = arith.constant 96 : i32
    %add3A_135 = arith.addi %add3A, %add3A_134 : i32
    %jit3A_136 = arith.constant 8 : i32
    %eq3A_137 = arith.constant 0 : i32
    %eq3A_138 = arith.cmpi eq, %jit3A_136, %eq3A_137 : i32
    %jit3A_139 = arith.constant 1 : i32
    %select_n3A_140 = arith.select %eq3A_138, %jit3A_139, %jit3A_136 : i32
    %rem3A_141 = arith.remsi %add3A_135, %select_n3A_140 : i32
    %ne3A_142 = arith.constant 0 : i32
    %ne3A_143 = arith.cmpi ne, %rem3A_141, %ne3A_142 : i32
    %lt3A_144 = arith.constant 0 : i32
    %lt3A_145 = arith.cmpi slt, %rem3A_141, %lt3A_144 : i32
    %lt3A_146 = arith.constant 0 : i32
    %lt3A_147 = arith.cmpi slt, %select_n3A_140, %lt3A_146 : i32
    %ne3A_148 = arith.xori %lt3A_145, %lt3A_147 : i1
    %and3A_149 = arith.andi %ne3A_148, %ne3A_143 : i1
    %add3A_150 = arith.addi %rem3A_141, %select_n3A_140 : i32
    %select_n3A_151 = arith.select %and3A_149, %add3A_150, %rem3A_141 : i32
    %mul3A_152 = arith.constant 8 : i32
    %mul3A_153 = arith.muli %select_n3A_151, %mul3A_152 : i32
    %jit3A_154 = arith.constant 8 : i32
    %div3A_155 = arith.divsi %add3A_135, %jit3A_154 : i32
    %sign3A_156 = arith.constant 0 : i32
    %sign3A_157 = arith.cmpi sgt, %add3A_135, %sign3A_156 : i32
    %sign3A_158 = arith.extui %sign3A_157 : i1 to i32
    %sign3A_159 = arith.constant 0 : i32
    %sign3A_160 = arith.cmpi slt, %add3A_135, %sign3A_159 : i32
    %sign3A_161 = arith.extui %sign3A_160 : i1 to i32
    %sign3A_162 = arith.subi %sign3A_158, %sign3A_161 : i32
    %sign3A_163 = arith.constant 0 : i32
    %sign3A_164 = arith.cmpi sgt, %jit3A_154, %sign3A_163 : i32
    %sign3A_165 = arith.extui %sign3A_164 : i1 to i32
    %sign3A_166 = arith.constant 0 : i32
    %sign3A_167 = arith.cmpi slt, %jit3A_154, %sign3A_166 : i32
    %sign3A_168 = arith.extui %sign3A_167 : i1 to i32
    %sign3A_169 = arith.subi %sign3A_165, %sign3A_168 : i32
    %ne3A_170 = arith.cmpi ne, %sign3A_162, %sign3A_169 : i32
    %rem3A_171 = arith.remsi %add3A_135, %jit3A_154 : i32
    %ne3A_172 = arith.constant 0 : i32
    %ne3A_173 = arith.cmpi ne, %rem3A_171, %ne3A_172 : i32
    %and3A_174 = arith.andi %ne3A_170, %ne3A_173 : i1
    %sub3A_175 = arith.constant 1 : i32
    %sub3A_176 = arith.subi %div3A_155, %sub3A_175 : i32
    %select_n3A_177 = arith.select %and3A_174, %sub3A_176, %div3A_155 : i32
    %mul3A_178 = arith.constant 2048 : i32
    %mul3A_179 = arith.muli %select_n3A_177, %mul3A_178 : i32
    %dma_start3A_180 = tpu.memref_slice %arg2[%mul3A_153, %mul3A_179] : memref<64x100000xf32, #tpu.memory_space<hbm>> -> memref<8x2048xf32, #tpu.memory_space<hbm>>
    %dma_start3A_181 = tpu.memref_slice %arg2[%mul3A_153, %mul3A_179] : memref<64x100000xf32, #tpu.memory_space<hbm>> -> memref<8x2048xf32, #tpu.memory_space<hbm>>
    tpu.enqueue_dma source(%dma_start3A_181 : memref<8x2048xf32, #tpu.memory_space<hbm>>) target(%arg7 : memref<8x2048xf32, #tpu.memory_space<vmem>>) target_semaphore(%arg13 : memref<!tpu.dma_semaphore, #tpu.memory_space<semaphore_mem>>)
    %add3A_182 = arith.constant 128 : i32
    %add3A_183 = arith.addi %add3A, %add3A_182 : i32
    %jit3A_184 = arith.constant 8 : i32
    %eq3A_185 = arith.constant 0 : i32
    %eq3A_186 = arith.cmpi eq, %jit3A_184, %eq3A_185 : i32
    %jit3A_187 = arith.constant 1 : i32
    %select_n3A_188 = arith.select %eq3A_186, %jit3A_187, %jit3A_184 : i32
    %rem3A_189 = arith.remsi %add3A_183, %select_n3A_188 : i32
    %ne3A_190 = arith.constant 0 : i32
    %ne3A_191 = arith.cmpi ne, %rem3A_189, %ne3A_190 : i32
    %lt3A_192 = arith.constant 0 : i32
    %lt3A_193 = arith.cmpi slt, %rem3A_189, %lt3A_192 : i32
    %lt3A_194 = arith.constant 0 : i32
    %lt3A_195 = arith.cmpi slt, %select_n3A_188, %lt3A_194 : i32
    %ne3A_196 = arith.xori %lt3A_193, %lt3A_195 : i1
    %and3A_197 = arith.andi %ne3A_196, %ne3A_191 : i1
    %add3A_198 = arith.addi %rem3A_189, %select_n3A_188 : i32
    %select_n3A_199 = arith.select %and3A_197, %add3A_198, %rem3A_189 : i32
    %mul3A_200 = arith.constant 8 : i32
    %mul3A_201 = arith.muli %select_n3A_199, %mul3A_200 : i32
    %jit3A_202 = arith.constant 8 : i32
    %div3A_203 = arith.divsi %add3A_183, %jit3A_202 : i32
    %sign3A_204 = arith.constant 0 : i32
    %sign3A_205 = arith.cmpi sgt, %add3A_183, %sign3A_204 : i32
    %sign3A_206 = arith.extui %sign3A_205 : i1 to i32
    %sign3A_207 = arith.constant 0 : i32
    %sign3A_208 = arith.cmpi slt, %add3A_183, %sign3A_207 : i32
    %sign3A_209 = arith.extui %sign3A_208 : i1 to i32
    %sign3A_210 = arith.subi %sign3A_206, %sign3A_209 : i32
    %sign3A_211 = arith.constant 0 : i32
    %sign3A_212 = arith.cmpi sgt, %jit3A_202, %sign3A_211 : i32
    %sign3A_213 = arith.extui %sign3A_212 : i1 to i32
    %sign3A_214 = arith.constant 0 : i32
    %sign3A_215 = arith.cmpi slt, %jit3A_202, %sign3A_214 : i32
    %sign3A_216 = arith.extui %sign3A_215 : i1 to i32
    %sign3A_217 = arith.subi %sign3A_213, %sign3A_216 : i32
    %ne3A_218 = arith.cmpi ne, %sign3A_210, %sign3A_217 : i32
    %rem3A_219 = arith.remsi %add3A_183, %jit3A_202 : i32
    %ne3A_220 = arith.constant 0 : i32
    %ne3A_221 = arith.cmpi ne, %rem3A_219, %ne3A_220 : i32
    %and3A_222 = arith.andi %ne3A_218, %ne3A_221 : i1
    %sub3A_223 = arith.constant 1 : i32
    %sub3A_224 = arith.subi %div3A_203, %sub3A_223 : i32
    %select_n3A_225 = arith.select %and3A_222, %sub3A_224, %div3A_203 : i32
    %mul3A_226 = arith.constant 2048 : i32
    %mul3A_227 = arith.muli %select_n3A_225, %mul3A_226 : i32
    %dma_start3A_228 = tpu.memref_slice %arg2[%mul3A_201, %mul3A_227] : memref<64x100000xf32, #tpu.memory_space<hbm>> -> memref<8x2048xf32, #tpu.memory_space<hbm>>
    %dma_start3A_229 = tpu.memref_slice %arg2[%mul3A_201, %mul3A_227] : memref<64x100000xf32, #tpu.memory_space<hbm>> -> memref<8x2048xf32, #tpu.memory_space<hbm>>
    tpu.enqueue_dma source(%dma_start3A_229 : memref<8x2048xf32, #tpu.memory_space<hbm>>) target(%arg8 : memref<8x2048xf32, #tpu.memory_space<vmem>>) target_semaphore(%arg14 : memref<!tpu.dma_semaphore, #tpu.memory_space<semaphore_mem>>)
    %add3A_230 = arith.constant 160 : i32
    %add3A_231 = arith.addi %add3A, %add3A_230 : i32
    %jit3A_232 = arith.constant 8 : i32
    %eq3A_233 = arith.constant 0 : i32
    %eq3A_234 = arith.cmpi eq, %jit3A_232, %eq3A_233 : i32
    %jit3A_235 = arith.constant 1 : i32
    %select_n3A_236 = arith.select %eq3A_234, %jit3A_235, %jit3A_232 : i32
    %rem3A_237 = arith.remsi %add3A_231, %select_n3A_236 : i32
    %ne3A_238 = arith.constant 0 : i32
    %ne3A_239 = arith.cmpi ne, %rem3A_237, %ne3A_238 : i32
    %lt3A_240 = arith.constant 0 : i32
    %lt3A_241 = arith.cmpi slt, %rem3A_237, %lt3A_240 : i32
    %lt3A_242 = arith.constant 0 : i32
    %lt3A_243 = arith.cmpi slt, %select_n3A_236, %lt3A_242 : i32
    %ne3A_244 = arith.xori %lt3A_241, %lt3A_243 : i1
    %and3A_245 = arith.andi %ne3A_244, %ne3A_239 : i1
    %add3A_246 = arith.addi %rem3A_237, %select_n3A_236 : i32
    %select_n3A_247 = arith.select %and3A_245, %add3A_246, %rem3A_237 : i32
    %mul3A_248 = arith.constant 8 : i32
    %mul3A_249 = arith.muli %select_n3A_247, %mul3A_248 : i32
    %jit3A_250 = arith.constant 8 : i32
    %div3A_251 = arith.divsi %add3A_231, %jit3A_250 : i32
    %sign3A_252 = arith.constant 0 : i32
    %sign3A_253 = arith.cmpi sgt, %add3A_231, %sign3A_252 : i32
    %sign3A_254 = arith.extui %sign3A_253 : i1 to i32
    %sign3A_255 = arith.constant 0 : i32
    %sign3A_256 = arith.cmpi slt, %add3A_231, %sign3A_255 : i32
    %sign3A_257 = arith.extui %sign3A_256 : i1 to i32
    %sign3A_258 = arith.subi %sign3A_254, %sign3A_257 : i32
    %sign3A_259 = arith.constant 0 : i32
    %sign3A_260 = arith.cmpi sgt, %jit3A_250, %sign3A_259 : i32
    %sign3A_261 = arith.extui %sign3A_260 : i1 to i32
    %sign3A_262 = arith.constant 0 : i32
    %sign3A_263 = arith.cmpi slt, %jit3A_250, %sign3A_262 : i32
    %sign3A_264 = arith.extui %sign3A_263 : i1 to i32
    %sign3A_265 = arith.subi %sign3A_261, %sign3A_264 : i32
    %ne3A_266 = arith.cmpi ne, %sign3A_258, %sign3A_265 : i32
    %rem3A_267 = arith.remsi %add3A_231, %jit3A_250 : i32
    %ne3A_268 = arith.constant 0 : i32
    %ne3A_269 = arith.cmpi ne, %rem3A_267, %ne3A_268 : i32
    %and3A_270 = arith.andi %ne3A_266, %ne3A_269 : i1
    %sub3A_271 = arith.constant 1 : i32
    %sub3A_272 = arith.subi %div3A_251, %sub3A_271 : i32
    %select_n3A_273 = arith.select %and3A_270, %sub3A_272, %div3A_251 : i32
    %mul3A_274 = arith.constant 2048 : i32
    %mul3A_275 = arith.muli %select_n3A_273, %mul3A_274 : i32
    %dma_start3A_276 = tpu.memref_slice %arg2[%mul3A_249, %mul3A_275] : memref<64x100000xf32, #tpu.memory_space<hbm>> -> memref<8x2048xf32, #tpu.memory_space<hbm>>
    %dma_start3A_277 = tpu.memref_slice %arg2[%mul3A_249, %mul3A_275] : memref<64x100000xf32, #tpu.memory_space<hbm>> -> memref<8x2048xf32, #tpu.memory_space<hbm>>
    tpu.enqueue_dma source(%dma_start3A_277 : memref<8x2048xf32, #tpu.memory_space<hbm>>) target(%arg9 : memref<8x2048xf32, #tpu.memory_space<vmem>>) target_semaphore(%arg15 : memref<!tpu.dma_semaphore, #tpu.memory_space<semaphore_mem>>)
    %dma_wait3A = tpu.memref_slice %arg2[%mul3A_13, %mul3A_36] : memref<64x100000xf32, #tpu.memory_space<hbm>> -> memref<8x2048xf32, #tpu.memory_space<hbm>>
    %dma_wait3A_278 = tpu.memref_slice %arg2[%mul3A_13, %mul3A_36] : memref<64x100000xf32, #tpu.memory_space<hbm>> -> memref<8x2048xf32, #tpu.memory_space<hbm>>
    tpu.wait_dma2 semaphore(%arg10 : memref<!tpu.dma_semaphore, #tpu.memory_space<semaphore_mem>>) src(%dma_wait3A_278 : memref<8x2048xf32, #tpu.memory_space<hbm>>) dst(%arg4 : memref<8x2048xf32, #tpu.memory_space<vmem>>)
    %add3A_279 = arith.constant 0 : i32
    %add3A_280 = arith.addi %add3A, %add3A_279 : i32
    %jit3A_281 = arith.constant 8 : i32
    %eq3A_282 = arith.constant 0 : i32
    %eq3A_283 = arith.cmpi eq, %jit3A_281, %eq3A_282 : i32
    %jit3A_284 = arith.constant 1 : i32
    %select_n3A_285 = arith.select %eq3A_283, %jit3A_284, %jit3A_281 : i32
    %rem3A_286 = arith.remsi %add3A_280, %select_n3A_285 : i32
    %ne3A_287 = arith.constant 0 : i32
    %ne3A_288 = arith.cmpi ne, %rem3A_286, %ne3A_287 : i32
    %lt3A_289 = arith.constant 0 : i32
    %lt3A_290 = arith.cmpi slt, %rem3A_286, %lt3A_289 : i32
    %lt3A_291 = arith.constant 0 : i32
    %lt3A_292 = arith.cmpi slt, %select_n3A_285, %lt3A_291 : i32
    %ne3A_293 = arith.xori %lt3A_290, %lt3A_292 : i1
    %and3A_294 = arith.andi %ne3A_293, %ne3A_288 : i1
    %add3A_295 = arith.addi %rem3A_286, %select_n3A_285 : i32
    %select_n3A_296 = arith.select %and3A_294, %add3A_295, %rem3A_286 : i32
    %mul3A_297 = arith.constant 8 : i32
    %mul3A_298 = arith.muli %select_n3A_296, %mul3A_297 : i32
    %jit3A_299 = arith.constant 8 : i32
    %div3A_300 = arith.divsi %add3A_280, %jit3A_299 : i32
    %sign3A_301 = arith.constant 0 : i32
    %sign3A_302 = arith.cmpi sgt, %add3A_280, %sign3A_301 : i32
    %sign3A_303 = arith.extui %sign3A_302 : i1 to i32
    %sign3A_304 = arith.constant 0 : i32
    %sign3A_305 = arith.cmpi slt, %add3A_280, %sign3A_304 : i32
    %sign3A_306 = arith.extui %sign3A_305 : i1 to i32
    %sign3A_307 = arith.subi %sign3A_303, %sign3A_306 : i32
    %sign3A_308 = arith.constant 0 : i32
    %sign3A_309 = arith.cmpi sgt, %jit3A_299, %sign3A_308 : i32
    %sign3A_310 = arith.extui %sign3A_309 : i1 to i32
    %sign3A_311 = arith.constant 0 : i32
    %sign3A_312 = arith.cmpi slt, %jit3A_299, %sign3A_311 : i32
    %sign3A_313 = arith.extui %sign3A_312 : i1 to i32
    %sign3A_314 = arith.subi %sign3A_310, %sign3A_313 : i32
    %ne3A_315 = arith.cmpi ne, %sign3A_307, %sign3A_314 : i32
    %rem3A_316 = arith.remsi %add3A_280, %jit3A_299 : i32
    %ne3A_317 = arith.constant 0 : i32
    %ne3A_318 = arith.cmpi ne, %rem3A_316, %ne3A_317 : i32
    %and3A_319 = arith.andi %ne3A_315, %ne3A_318 : i1
    %sub3A_320 = arith.constant 1 : i32
    %sub3A_321 = arith.subi %div3A_300, %sub3A_320 : i32
    %select_n3A_322 = arith.select %and3A_319, %sub3A_321, %div3A_300 : i32
    %mul3A_323 = arith.constant 2048 : i32
    %mul3A_324 = arith.muli %select_n3A_322, %mul3A_323 : i32
    %dma_start3A_325 = tpu.memref_slice %arg3[%mul3A_298, %mul3A_324] : memref<64x100000xf32, #tpu.memory_space<hbm>> -> memref<8x2048xf32, #tpu.memory_space<hbm>>
    %dma_start3A_326 = tpu.memref_slice %arg3[%mul3A_298, %mul3A_324] : memref<64x100000xf32, #tpu.memory_space<hbm>> -> memref<8x2048xf32, #tpu.memory_space<hbm>>
    tpu.enqueue_dma source(%arg4 : memref<8x2048xf32, #tpu.memory_space<vmem>>) target(%dma_start3A_326 : memref<8x2048xf32, #tpu.memory_space<hbm>>) target_semaphore(%arg16 : memref<!tpu.dma_semaphore, #tpu.memory_space<semaphore_mem>>)
    %dma_wait3A_327 = tpu.memref_slice %arg3[%mul3A_298, %mul3A_324] : memref<64x100000xf32, #tpu.memory_space<hbm>> -> memref<8x2048xf32, #tpu.memory_space<hbm>>
    %dma_wait3A_328 = tpu.memref_slice %arg3[%mul3A_298, %mul3A_324] : memref<64x100000xf32, #tpu.memory_space<hbm>> -> memref<8x2048xf32, #tpu.memory_space<hbm>>
    tpu.wait_dma2 semaphore(%arg16 : memref<!tpu.dma_semaphore, #tpu.memory_space<semaphore_mem>>) src(%arg4 : memref<8x2048xf32, #tpu.memory_space<vmem>>) dst(%dma_wait3A_328 : memref<8x2048xf32, #tpu.memory_space<hbm>>)
    %add3A_329 = arith.constant 192 : i32
    %add3A_330 = arith.addi %add3A, %add3A_329 : i32
    %jit3A_331 = arith.constant 8 : i32
    %eq3A_332 = arith.constant 0 : i32
    %eq3A_333 = arith.cmpi eq, %jit3A_331, %eq3A_332 : i32
    %jit3A_334 = arith.constant 1 : i32
    %select_n3A_335 = arith.select %eq3A_333, %jit3A_334, %jit3A_331 : i32
    %rem3A_336 = arith.remsi %add3A_330, %select_n3A_335 : i32
    %ne3A_337 = arith.constant 0 : i32
    %ne3A_338 = arith.cmpi ne, %rem3A_336, %ne3A_337 : i32
    %lt3A_339 = arith.constant 0 : i32
    %lt3A_340 = arith.cmpi slt, %rem3A_336, %lt3A_339 : i32
    %lt3A_341 = arith.constant 0 : i32
    %lt3A_342 = arith.cmpi slt, %select_n3A_335, %lt3A_341 : i32
    %ne3A_343 = arith.xori %lt3A_340, %lt3A_342 : i1
    %and3A_344 = arith.andi %ne3A_343, %ne3A_338 : i1
    %add3A_345 = arith.addi %rem3A_336, %select_n3A_335 : i32
    %select_n3A_346 = arith.select %and3A_344, %add3A_345, %rem3A_336 : i32
    %mul3A_347 = arith.constant 8 : i32
    %mul3A_348 = arith.muli %select_n3A_346, %mul3A_347 : i32
    %jit3A_349 = arith.constant 8 : i32
    %div3A_350 = arith.divsi %add3A_330, %jit3A_349 : i32
    %sign3A_351 = arith.constant 0 : i32
    %sign3A_352 = arith.cmpi sgt, %add3A_330, %sign3A_351 : i32
    %sign3A_353 = arith.extui %sign3A_352 : i1 to i32
    %sign3A_354 = arith.constant 0 : i32
    %sign3A_355 = arith.cmpi slt, %add3A_330, %sign3A_354 : i32
    %sign3A_356 = arith.extui %sign3A_355 : i1 to i32
    %sign3A_357 = arith.subi %sign3A_353, %sign3A_356 : i32
    %sign3A_358 = arith.constant 0 : i32
    %sign3A_359 = arith.cmpi sgt, %jit3A_349, %sign3A_358 : i32
    %sign3A_360 = arith.extui %sign3A_359 : i1 to i32
    %sign3A_361 = arith.constant 0 : i32
    %sign3A_362 = arith.cmpi slt, %jit3A_349, %sign3A_361 : i32
    %sign3A_363 = arith.extui %sign3A_362 : i1 to i32
    %sign3A_364 = arith.subi %sign3A_360, %sign3A_363 : i32
    %ne3A_365 = arith.cmpi ne, %sign3A_357, %sign3A_364 : i32
    %rem3A_366 = arith.remsi %add3A_330, %jit3A_349 : i32
    %ne3A_367 = arith.constant 0 : i32
    %ne3A_368 = arith.cmpi ne, %rem3A_366, %ne3A_367 : i32
    %and3A_369 = arith.andi %ne3A_365, %ne3A_368 : i1
    %sub3A_370 = arith.constant 1 : i32
    %sub3A_371 = arith.subi %div3A_350, %sub3A_370 : i32
    %select_n3A_372 = arith.select %and3A_369, %sub3A_371, %div3A_350 : i32
    %mul3A_373 = arith.constant 2048 : i32
    %mul3A_374 = arith.muli %select_n3A_372, %mul3A_373 : i32
    %dma_start3A_375 = tpu.memref_slice %arg2[%mul3A_348, %mul3A_374] : memref<64x100000xf32, #tpu.memory_space<hbm>> -> memref<8x2048xf32, #tpu.memory_space<hbm>>
    %dma_start3A_376 = tpu.memref_slice %arg2[%mul3A_348, %mul3A_374] : memref<64x100000xf32, #tpu.memory_space<hbm>> -> memref<8x2048xf32, #tpu.memory_space<hbm>>
    tpu.enqueue_dma source(%dma_start3A_376 : memref<8x2048xf32, #tpu.memory_space<hbm>>) target(%arg4 : memref<8x2048xf32, #tpu.memory_space<vmem>>) target_semaphore(%arg10 : memref<!tpu.dma_semaphore, #tpu.memory_space<semaphore_mem>>)
    %dma_wait3A_377 = tpu.memref_slice %arg2[%mul3A_57, %mul3A_83] : memref<64x100000xf32, #tpu.memory_space<hbm>> -> memref<8x2048xf32, #tpu.memory_space<hbm>>
    %dma_wait3A_378 = tpu.memref_slice %arg2[%mul3A_57, %mul3A_83] : memref<64x100000xf32, #tpu.memory_space<hbm>> -> memref<8x2048xf32, #tpu.memory_space<hbm>>
    tpu.wait_dma2 semaphore(%arg11 : memref<!tpu.dma_semaphore, #tpu.memory_space<semaphore_mem>>) src(%dma_wait3A_378 : memref<8x2048xf32, #tpu.memory_space<hbm>>) dst(%arg5 : memref<8x2048xf32, #tpu.memory_space<vmem>>)
    %add3A_379 = arith.constant 32 : i32
    %add3A_380 = arith.addi %add3A, %add3A_379 : i32
    %jit3A_381 = arith.constant 8 : i32
    %eq3A_382 = arith.constant 0 : i32
    %eq3A_383 = arith.cmpi eq, %jit3A_381, %eq3A_382 : i32
    %jit3A_384 = arith.constant 1 : i32
    %select_n3A_385 = arith.select %eq3A_383, %jit3A_384, %jit3A_381 : i32
    %rem3A_386 = arith.remsi %add3A_380, %select_n3A_385 : i32
    %ne3A_387 = arith.constant 0 : i32
    %ne3A_388 = arith.cmpi ne, %rem3A_386, %ne3A_387 : i32
    %lt3A_389 = arith.constant 0 : i32
    %lt3A_390 = arith.cmpi slt, %rem3A_386, %lt3A_389 : i32
    %lt3A_391 = arith.constant 0 : i32
    %lt3A_392 = arith.cmpi slt, %select_n3A_385, %lt3A_391 : i32
    %ne3A_393 = arith.xori %lt3A_390, %lt3A_392 : i1
    %and3A_394 = arith.andi %ne3A_393, %ne3A_388 : i1
    %add3A_395 = arith.addi %rem3A_386, %select_n3A_385 : i32
    %select_n3A_396 = arith.select %and3A_394, %add3A_395, %rem3A_386 : i32
    %mul3A_397 = arith.constant 8 : i32
    %mul3A_398 = arith.muli %select_n3A_396, %mul3A_397 : i32
    %jit3A_399 = arith.constant 8 : i32
    %div3A_400 = arith.divsi %add3A_380, %jit3A_399 : i32
    %sign3A_401 = arith.constant 0 : i32
    %sign3A_402 = arith.cmpi sgt, %add3A_380, %sign3A_401 : i32
    %sign3A_403 = arith.extui %sign3A_402 : i1 to i32
    %sign3A_404 = arith.constant 0 : i32
    %sign3A_405 = arith.cmpi slt, %add3A_380, %sign3A_404 : i32
    %sign3A_406 = arith.extui %sign3A_405 : i1 to i32
    %sign3A_407 = arith.subi %sign3A_403, %sign3A_406 : i32
    %sign3A_408 = arith.constant 0 : i32
    %sign3A_409 = arith.cmpi sgt, %jit3A_399, %sign3A_408 : i32
    %sign3A_410 = arith.extui %sign3A_409 : i1 to i32
    %sign3A_411 = arith.constant 0 : i32
    %sign3A_412 = arith.cmpi slt, %jit3A_399, %sign3A_411 : i32
    %sign3A_413 = arith.extui %sign3A_412 : i1 to i32
    %sign3A_414 = arith.subi %sign3A_410, %sign3A_413 : i32
    %ne3A_415 = arith.cmpi ne, %sign3A_407, %sign3A_414 : i32
    %rem3A_416 = arith.remsi %add3A_380, %jit3A_399 : i32
    %ne3A_417 = arith.constant 0 : i32
    %ne3A_418 = arith.cmpi ne, %rem3A_416, %ne3A_417 : i32
    %and3A_419 = arith.andi %ne3A_415, %ne3A_418 : i1
    %sub3A_420 = arith.constant 1 : i32
    %sub3A_421 = arith.subi %div3A_400, %sub3A_420 : i32
    %select_n3A_422 = arith.select %and3A_419, %sub3A_421, %div3A_400 : i32
    %mul3A_423 = arith.constant 2048 : i32
    %mul3A_424 = arith.muli %select_n3A_422, %mul3A_423 : i32
    %dma_start3A_425 = tpu.memref_slice %arg3[%mul3A_398, %mul3A_424] : memref<64x100000xf32, #tpu.memory_space<hbm>> -> memref<8x2048xf32, #tpu.memory_space<hbm>>
    %dma_start3A_426 = tpu.memref_slice %arg3[%mul3A_398, %mul3A_424] : memref<64x100000xf32, #tpu.memory_space<hbm>> -> memref<8x2048xf32, #tpu.memory_space<hbm>>
    tpu.enqueue_dma source(%arg5 : memref<8x2048xf32, #tpu.memory_space<vmem>>) target(%dma_start3A_426 : memref<8x2048xf32, #tpu.memory_space<hbm>>) target_semaphore(%arg17 : memref<!tpu.dma_semaphore, #tpu.memory_space<semaphore_mem>>)
    %dma_wait3A_427 = tpu.memref_slice %arg3[%mul3A_398, %mul3A_424] : memref<64x100000xf32, #tpu.memory_space<hbm>> -> memref<8x2048xf32, #tpu.memory_space<hbm>>
    %dma_wait3A_428 = tpu.memref_slice %arg3[%mul3A_398, %mul3A_424] : memref<64x100000xf32, #tpu.memory_space<hbm>> -> memref<8x2048xf32, #tpu.memory_space<hbm>>
    tpu.wait_dma2 semaphore(%arg17 : memref<!tpu.dma_semaphore, #tpu.memory_space<semaphore_mem>>) src(%arg5 : memref<8x2048xf32, #tpu.memory_space<vmem>>) dst(%dma_wait3A_428 : memref<8x2048xf32, #tpu.memory_space<hbm>>)
    %add3A_429 = arith.constant 224 : i32
    %add3A_430 = arith.addi %add3A, %add3A_429 : i32
    %jit3A_431 = arith.constant 8 : i32
    %eq3A_432 = arith.constant 0 : i32
    %eq3A_433 = arith.cmpi eq, %jit3A_431, %eq3A_432 : i32
    %jit3A_434 = arith.constant 1 : i32
    %select_n3A_435 = arith.select %eq3A_433, %jit3A_434, %jit3A_431 : i32
    %rem3A_436 = arith.remsi %add3A_430, %select_n3A_435 : i32
    %ne3A_437 = arith.constant 0 : i32
    %ne3A_438 = arith.cmpi ne, %rem3A_436, %ne3A_437 : i32
    %lt3A_439 = arith.constant 0 : i32
    %lt3A_440 = arith.cmpi slt, %rem3A_436, %lt3A_439 : i32
    %lt3A_441 = arith.constant 0 : i32
    %lt3A_442 = arith.cmpi slt, %select_n3A_435, %lt3A_441 : i32
    %ne3A_443 = arith.xori %lt3A_440, %lt3A_442 : i1
    %and3A_444 = arith.andi %ne3A_443, %ne3A_438 : i1
    %add3A_445 = arith.addi %rem3A_436, %select_n3A_435 : i32
    %select_n3A_446 = arith.select %and3A_444, %add3A_445, %rem3A_436 : i32
    %mul3A_447 = arith.constant 8 : i32
    %mul3A_448 = arith.muli %select_n3A_446, %mul3A_447 : i32
    %jit3A_449 = arith.constant 8 : i32
    %div3A_450 = arith.divsi %add3A_430, %jit3A_449 : i32
    %sign3A_451 = arith.constant 0 : i32
    %sign3A_452 = arith.cmpi sgt, %add3A_430, %sign3A_451 : i32
    %sign3A_453 = arith.extui %sign3A_452 : i1 to i32
    %sign3A_454 = arith.constant 0 : i32
    %sign3A_455 = arith.cmpi slt, %add3A_430, %sign3A_454 : i32
    %sign3A_456 = arith.extui %sign3A_455 : i1 to i32
    %sign3A_457 = arith.subi %sign3A_453, %sign3A_456 : i32
    %sign3A_458 = arith.constant 0 : i32
    %sign3A_459 = arith.cmpi sgt, %jit3A_449, %sign3A_458 : i32
    %sign3A_460 = arith.extui %sign3A_459 : i1 to i32
    %sign3A_461 = arith.constant 0 : i32
    %sign3A_462 = arith.cmpi slt, %jit3A_449, %sign3A_461 : i32
    %sign3A_463 = arith.extui %sign3A_462 : i1 to i32
    %sign3A_464 = arith.subi %sign3A_460, %sign3A_463 : i32
    %ne3A_465 = arith.cmpi ne, %sign3A_457, %sign3A_464 : i32
    %rem3A_466 = arith.remsi %add3A_430, %jit3A_449 : i32
    %ne3A_467 = arith.constant 0 : i32
    %ne3A_468 = arith.cmpi ne, %rem3A_466, %ne3A_467 : i32
    %and3A_469 = arith.andi %ne3A_465, %ne3A_468 : i1
    %sub3A_470 = arith.constant 1 : i32
    %sub3A_471 = arith.subi %div3A_450, %sub3A_470 : i32
    %select_n3A_472 = arith.select %and3A_469, %sub3A_471, %div3A_450 : i32
    %mul3A_473 = arith.constant 2048 : i32
    %mul3A_474 = arith.muli %select_n3A_472, %mul3A_473 : i32
    %dma_start3A_475 = tpu.memref_slice %arg2[%mul3A_448, %mul3A_474] : memref<64x100000xf32, #tpu.memory_space<hbm>> -> memref<8x2048xf32, #tpu.memory_space<hbm>>
    %dma_start3A_476 = tpu.memref_slice %arg2[%mul3A_448, %mul3A_474] : memref<64x100000xf32, #tpu.memory_space<hbm>> -> memref<8x2048xf32, #tpu.memory_space<hbm>>
    tpu.enqueue_dma source(%dma_start3A_476 : memref<8x2048xf32, #tpu.memory_space<hbm>>) target(%arg5 : memref<8x2048xf32, #tpu.memory_space<vmem>>) target_semaphore(%arg11 : memref<!tpu.dma_semaphore, #tpu.memory_space<semaphore_mem>>)
    %dma_wait3A_477 = tpu.memref_slice %arg2[%mul3A_105, %mul3A_131] : memref<64x100000xf32, #tpu.memory_space<hbm>> -> memref<8x2048xf32, #tpu.memory_space<hbm>>
    %dma_wait3A_478 = tpu.memref_slice %arg2[%mul3A_105, %mul3A_131] : memref<64x100000xf32, #tpu.memory_space<hbm>> -> memref<8x2048xf32, #tpu.memory_space<hbm>>
    tpu.wait_dma2 semaphore(%arg12 : memref<!tpu.dma_semaphore, #tpu.memory_space<semaphore_mem>>) src(%dma_wait3A_478 : memref<8x2048xf32, #tpu.memory_space<hbm>>) dst(%arg6 : memref<8x2048xf32, #tpu.memory_space<vmem>>)
    %add3A_479 = arith.constant 64 : i32
    %add3A_480 = arith.addi %add3A, %add3A_479 : i32
    %jit3A_481 = arith.constant 8 : i32
    %eq3A_482 = arith.constant 0 : i32
    %eq3A_483 = arith.cmpi eq, %jit3A_481, %eq3A_482 : i32
    %jit3A_484 = arith.constant 1 : i32
    %select_n3A_485 = arith.select %eq3A_483, %jit3A_484, %jit3A_481 : i32
    %rem3A_486 = arith.remsi %add3A_480, %select_n3A_485 : i32
    %ne3A_487 = arith.constant 0 : i32
    %ne3A_488 = arith.cmpi ne, %rem3A_486, %ne3A_487 : i32
    %lt3A_489 = arith.constant 0 : i32
    %lt3A_490 = arith.cmpi slt, %rem3A_486, %lt3A_489 : i32
    %lt3A_491 = arith.constant 0 : i32
    %lt3A_492 = arith.cmpi slt, %select_n3A_485, %lt3A_491 : i32
    %ne3A_493 = arith.xori %lt3A_490, %lt3A_492 : i1
    %and3A_494 = arith.andi %ne3A_493, %ne3A_488 : i1
    %add3A_495 = arith.addi %rem3A_486, %select_n3A_485 : i32
    %select_n3A_496 = arith.select %and3A_494, %add3A_495, %rem3A_486 : i32
    %mul3A_497 = arith.constant 8 : i32
    %mul3A_498 = arith.muli %select_n3A_496, %mul3A_497 : i32
    %jit3A_499 = arith.constant 8 : i32
    %div3A_500 = arith.divsi %add3A_480, %jit3A_499 : i32
    %sign3A_501 = arith.constant 0 : i32
    %sign3A_502 = arith.cmpi sgt, %add3A_480, %sign3A_501 : i32
    %sign3A_503 = arith.extui %sign3A_502 : i1 to i32
    %sign3A_504 = arith.constant 0 : i32
    %sign3A_505 = arith.cmpi slt, %add3A_480, %sign3A_504 : i32
    %sign3A_506 = arith.extui %sign3A_505 : i1 to i32
    %sign3A_507 = arith.subi %sign3A_503, %sign3A_506 : i32
    %sign3A_508 = arith.constant 0 : i32
    %sign3A_509 = arith.cmpi sgt, %jit3A_499, %sign3A_508 : i32
    %sign3A_510 = arith.extui %sign3A_509 : i1 to i32
    %sign3A_511 = arith.constant 0 : i32
    %sign3A_512 = arith.cmpi slt, %jit3A_499, %sign3A_511 : i32
    %sign3A_513 = arith.extui %sign3A_512 : i1 to i32
    %sign3A_514 = arith.subi %sign3A_510, %sign3A_513 : i32
    %ne3A_515 = arith.cmpi ne, %sign3A_507, %sign3A_514 : i32
    %rem3A_516 = arith.remsi %add3A_480, %jit3A_499 : i32
    %ne3A_517 = arith.constant 0 : i32
    %ne3A_518 = arith.cmpi ne, %rem3A_516, %ne3A_517 : i32
    %and3A_519 = arith.andi %ne3A_515, %ne3A_518 : i1
    %sub3A_520 = arith.constant 1 : i32
    %sub3A_521 = arith.subi %div3A_500, %sub3A_520 : i32
    %select_n3A_522 = arith.select %and3A_519, %sub3A_521, %div3A_500 : i32
    %mul3A_523 = arith.constant 2048 : i32
    %mul3A_524 = arith.muli %select_n3A_522, %mul3A_523 : i32
    %dma_start3A_525 = tpu.memref_slice %arg3[%mul3A_498, %mul3A_524] : memref<64x100000xf32, #tpu.memory_space<hbm>> -> memref<8x2048xf32, #tpu.memory_space<hbm>>
    %dma_start3A_526 = tpu.memref_slice %arg3[%mul3A_498, %mul3A_524] : memref<64x100000xf32, #tpu.memory_space<hbm>> -> memref<8x2048xf32, #tpu.memory_space<hbm>>
    tpu.enqueue_dma source(%arg6 : memref<8x2048xf32, #tpu.memory_space<vmem>>) target(%dma_start3A_526 : memref<8x2048xf32, #tpu.memory_space<hbm>>) target_semaphore(%arg18 : memref<!tpu.dma_semaphore, #tpu.memory_space<semaphore_mem>>)
    %dma_wait3A_527 = tpu.memref_slice %arg3[%mul3A_498, %mul3A_524] : memref<64x100000xf32, #tpu.memory_space<hbm>> -> memref<8x2048xf32, #tpu.memory_space<hbm>>
    %dma_wait3A_528 = tpu.memref_slice %arg3[%mul3A_498, %mul3A_524] : memref<64x100000xf32, #tpu.memory_space<hbm>> -> memref<8x2048xf32, #tpu.memory_space<hbm>>
    tpu.wait_dma2 semaphore(%arg18 : memref<!tpu.dma_semaphore, #tpu.memory_space<semaphore_mem>>) src(%arg6 : memref<8x2048xf32, #tpu.memory_space<vmem>>) dst(%dma_wait3A_528 : memref<8x2048xf32, #tpu.memory_space<hbm>>)
    %add3A_529 = arith.constant 256 : i32
    %add3A_530 = arith.addi %add3A, %add3A_529 : i32
    %jit3A_531 = arith.constant 8 : i32
    %eq3A_532 = arith.constant 0 : i32
    %eq3A_533 = arith.cmpi eq, %jit3A_531, %eq3A_532 : i32
    %jit3A_534 = arith.constant 1 : i32
    %select_n3A_535 = arith.select %eq3A_533, %jit3A_534, %jit3A_531 : i32
    %rem3A_536 = arith.remsi %add3A_530, %select_n3A_535 : i32
    %ne3A_537 = arith.constant 0 : i32
    %ne3A_538 = arith.cmpi ne, %rem3A_536, %ne3A_537 : i32
    %lt3A_539 = arith.constant 0 : i32
    %lt3A_540 = arith.cmpi slt, %rem3A_536, %lt3A_539 : i32
    %lt3A_541 = arith.constant 0 : i32
    %lt3A_542 = arith.cmpi slt, %select_n3A_535, %lt3A_541 : i32
    %ne3A_543 = arith.xori %lt3A_540, %lt3A_542 : i1
    %and3A_544 = arith.andi %ne3A_543, %ne3A_538 : i1
    %add3A_545 = arith.addi %rem3A_536, %select_n3A_535 : i32
    %select_n3A_546 = arith.select %and3A_544, %add3A_545, %rem3A_536 : i32
    %mul3A_547 = arith.constant 8 : i32
    %mul3A_548 = arith.muli %select_n3A_546, %mul3A_547 : i32
    %jit3A_549 = arith.constant 8 : i32
    %div3A_550 = arith.divsi %add3A_530, %jit3A_549 : i32
    %sign3A_551 = arith.constant 0 : i32
    %sign3A_552 = arith.cmpi sgt, %add3A_530, %sign3A_551 : i32
    %sign3A_553 = arith.extui %sign3A_552 : i1 to i32
    %sign3A_554 = arith.constant 0 : i32
    %sign3A_555 = arith.cmpi slt, %add3A_530, %sign3A_554 : i32
    %sign3A_556 = arith.extui %sign3A_555 : i1 to i32
    %sign3A_557 = arith.subi %sign3A_553, %sign3A_556 : i32
    %sign3A_558 = arith.constant 0 : i32
    %sign3A_559 = arith.cmpi sgt, %jit3A_549, %sign3A_558 : i32
    %sign3A_560 = arith.extui %sign3A_559 : i1 to i32
    %sign3A_561 = arith.constant 0 : i32
    %sign3A_562 = arith.cmpi slt, %jit3A_549, %sign3A_561 : i32
    %sign3A_563 = arith.extui %sign3A_562 : i1 to i32
    %sign3A_564 = arith.subi %sign3A_560, %sign3A_563 : i32
    %ne3A_565 = arith.cmpi ne, %sign3A_557, %sign3A_564 : i32
    %rem3A_566 = arith.remsi %add3A_530, %jit3A_549 : i32
    %ne3A_567 = arith.constant 0 : i32
    %ne3A_568 = arith.cmpi ne, %rem3A_566, %ne3A_567 : i32
    %and3A_569 = arith.andi %ne3A_565, %ne3A_568 : i1
    %sub3A_570 = arith.constant 1 : i32
    %sub3A_571 = arith.subi %div3A_550, %sub3A_570 : i32
    %select_n3A_572 = arith.select %and3A_569, %sub3A_571, %div3A_550 : i32
    %mul3A_573 = arith.constant 2048 : i32
    %mul3A_574 = arith.muli %select_n3A_572, %mul3A_573 : i32
    %dma_start3A_575 = tpu.memref_slice %arg2[%mul3A_548, %mul3A_574] : memref<64x100000xf32, #tpu.memory_space<hbm>> -> memref<8x2048xf32, #tpu.memory_space<hbm>>
    %dma_start3A_576 = tpu.memref_slice %arg2[%mul3A_548, %mul3A_574] : memref<64x100000xf32, #tpu.memory_space<hbm>> -> memref<8x2048xf32, #tpu.memory_space<hbm>>
    tpu.enqueue_dma source(%dma_start3A_576 : memref<8x2048xf32, #tpu.memory_space<hbm>>) target(%arg6 : memref<8x2048xf32, #tpu.memory_space<vmem>>) target_semaphore(%arg12 : memref<!tpu.dma_semaphore, #tpu.memory_space<semaphore_mem>>)
    %dma_wait3A_577 = tpu.memref_slice %arg2[%mul3A_153, %mul3A_179] : memref<64x100000xf32, #tpu.memory_space<hbm>> -> memref<8x2048xf32, #tpu.memory_space<hbm>>
    %dma_wait3A_578 = tpu.memref_slice %arg2[%mul3A_153, %mul3A_179] : memref<64x100000xf32, #tpu.memory_space<hbm>> -> memref<8x2048xf32, #tpu.memory_space<hbm>>
    tpu.wait_dma2 semaphore(%arg13 : memref<!tpu.dma_semaphore, #tpu.memory_space<semaphore_mem>>) src(%dma_wait3A_578 : memref<8x2048xf32, #tpu.memory_space<hbm>>) dst(%arg7 : memref<8x2048xf32, #tpu.memory_space<vmem>>)
    %add3A_579 = arith.constant 96 : i32
    %add3A_580 = arith.addi %add3A, %add3A_579 : i32
    %jit3A_581 = arith.constant 8 : i32
    %eq3A_582 = arith.constant 0 : i32
    %eq3A_583 = arith.cmpi eq, %jit3A_581, %eq3A_582 : i32
    %jit3A_584 = arith.constant 1 : i32
    %select_n3A_585 = arith.select %eq3A_583, %jit3A_584, %jit3A_581 : i32
    %rem3A_586 = arith.remsi %add3A_580, %select_n3A_585 : i32
    %ne3A_587 = arith.constant 0 : i32
    %ne3A_588 = arith.cmpi ne, %rem3A_586, %ne3A_587 : i32
    %lt3A_589 = arith.constant 0 : i32
    %lt3A_590 = arith.cmpi slt, %rem3A_586, %lt3A_589 : i32
    %lt3A_591 = arith.constant 0 : i32
    %lt3A_592 = arith.cmpi slt, %select_n3A_585, %lt3A_591 : i32
    %ne3A_593 = arith.xori %lt3A_590, %lt3A_592 : i1
    %and3A_594 = arith.andi %ne3A_593, %ne3A_588 : i1
    %add3A_595 = arith.addi %rem3A_586, %select_n3A_585 : i32
    %select_n3A_596 = arith.select %and3A_594, %add3A_595, %rem3A_586 : i32
    %mul3A_597 = arith.constant 8 : i32
    %mul3A_598 = arith.muli %select_n3A_596, %mul3A_597 : i32
    %jit3A_599 = arith.constant 8 : i32
    %div3A_600 = arith.divsi %add3A_580, %jit3A_599 : i32
    %sign3A_601 = arith.constant 0 : i32
    %sign3A_602 = arith.cmpi sgt, %add3A_580, %sign3A_601 : i32
    %sign3A_603 = arith.extui %sign3A_602 : i1 to i32
    %sign3A_604 = arith.constant 0 : i32
    %sign3A_605 = arith.cmpi slt, %add3A_580, %sign3A_604 : i32
    %sign3A_606 = arith.extui %sign3A_605 : i1 to i32
    %sign3A_607 = arith.subi %sign3A_603, %sign3A_606 : i32
    %sign3A_608 = arith.constant 0 : i32
    %sign3A_609 = arith.cmpi sgt, %jit3A_599, %sign3A_608 : i32
    %sign3A_610 = arith.extui %sign3A_609 : i1 to i32
    %sign3A_611 = arith.constant 0 : i32
    %sign3A_612 = arith.cmpi slt, %jit3A_599, %sign3A_611 : i32
    %sign3A_613 = arith.extui %sign3A_612 : i1 to i32
    %sign3A_614 = arith.subi %sign3A_610, %sign3A_613 : i32
    %ne3A_615 = arith.cmpi ne, %sign3A_607, %sign3A_614 : i32
    %rem3A_616 = arith.remsi %add3A_580, %jit3A_599 : i32
    %ne3A_617 = arith.constant 0 : i32
    %ne3A_618 = arith.cmpi ne, %rem3A_616, %ne3A_617 : i32
    %and3A_619 = arith.andi %ne3A_615, %ne3A_618 : i1
    %sub3A_620 = arith.constant 1 : i32
    %sub3A_621 = arith.subi %div3A_600, %sub3A_620 : i32
    %select_n3A_622 = arith.select %and3A_619, %sub3A_621, %div3A_600 : i32
    %mul3A_623 = arith.constant 2048 : i32
    %mul3A_624 = arith.muli %select_n3A_622, %mul3A_623 : i32
    %dma_start3A_625 = tpu.memref_slice %arg3[%mul3A_598, %mul3A_624] : memref<64x100000xf32, #tpu.memory_space<hbm>> -> memref<8x2048xf32, #tpu.memory_space<hbm>>
    %dma_start3A_626 = tpu.memref_slice %arg3[%mul3A_598, %mul3A_624] : memref<64x100000xf32, #tpu.memory_space<hbm>> -> memref<8x2048xf32, #tpu.memory_space<hbm>>
    tpu.enqueue_dma source(%arg7 : memref<8x2048xf32, #tpu.memory_space<vmem>>) target(%dma_start3A_626 : memref<8x2048xf32, #tpu.memory_space<hbm>>) target_semaphore(%arg19 : memref<!tpu.dma_semaphore, #tpu.memory_space<semaphore_mem>>)
    %dma_wait3A_627 = tpu.memref_slice %arg3[%mul3A_598, %mul3A_624] : memref<64x100000xf32, #tpu.memory_space<hbm>> -> memref<8x2048xf32, #tpu.memory_space<hbm>>
    %dma_wait3A_628 = tpu.memref_slice %arg3[%mul3A_598, %mul3A_624] : memref<64x100000xf32, #tpu.memory_space<hbm>> -> memref<8x2048xf32, #tpu.memory_space<hbm>>
    tpu.wait_dma2 semaphore(%arg19 : memref<!tpu.dma_semaphore, #tpu.memory_space<semaphore_mem>>) src(%arg7 : memref<8x2048xf32, #tpu.memory_space<vmem>>) dst(%dma_wait3A_628 : memref<8x2048xf32, #tpu.memory_space<hbm>>)
    %add3A_629 = arith.constant 288 : i32
    %add3A_630 = arith.addi %add3A, %add3A_629 : i32
    %jit3A_631 = arith.constant 8 : i32
    %eq3A_632 = arith.constant 0 : i32
    %eq3A_633 = arith.cmpi eq, %jit3A_631, %eq3A_632 : i32
    %jit3A_634 = arith.constant 1 : i32
    %select_n3A_635 = arith.select %eq3A_633, %jit3A_634, %jit3A_631 : i32
    %rem3A_636 = arith.remsi %add3A_630, %select_n3A_635 : i32
    %ne3A_637 = arith.constant 0 : i32
    %ne3A_638 = arith.cmpi ne, %rem3A_636, %ne3A_637 : i32
    %lt3A_639 = arith.constant 0 : i32
    %lt3A_640 = arith.cmpi slt, %rem3A_636, %lt3A_639 : i32
    %lt3A_641 = arith.constant 0 : i32
    %lt3A_642 = arith.cmpi slt, %select_n3A_635, %lt3A_641 : i32
    %ne3A_643 = arith.xori %lt3A_640, %lt3A_642 : i1
    %and3A_644 = arith.andi %ne3A_643, %ne3A_638 : i1
    %add3A_645 = arith.addi %rem3A_636, %select_n3A_635 : i32
    %select_n3A_646 = arith.select %and3A_644, %add3A_645, %rem3A_636 : i32
    %mul3A_647 = arith.constant 8 : i32
    %mul3A_648 = arith.muli %select_n3A_646, %mul3A_647 : i32
    %jit3A_649 = arith.constant 8 : i32
    %div3A_650 = arith.divsi %add3A_630, %jit3A_649 : i32
    %sign3A_651 = arith.constant 0 : i32
    %sign3A_652 = arith.cmpi sgt, %add3A_630, %sign3A_651 : i32
    %sign3A_653 = arith.extui %sign3A_652 : i1 to i32
    %sign3A_654 = arith.constant 0 : i32
    %sign3A_655 = arith.cmpi slt, %add3A_630, %sign3A_654 : i32
    %sign3A_656 = arith.extui %sign3A_655 : i1 to i32
    %sign3A_657 = arith.subi %sign3A_653, %sign3A_656 : i32
    %sign3A_658 = arith.constant 0 : i32
    %sign3A_659 = arith.cmpi sgt, %jit3A_649, %sign3A_658 : i32
    %sign3A_660 = arith.extui %sign3A_659 : i1 to i32
    %sign3A_661 = arith.constant 0 : i32
    %sign3A_662 = arith.cmpi slt, %jit3A_649, %sign3A_661 : i32
    %sign3A_663 = arith.extui %sign3A_662 : i1 to i32
    %sign3A_664 = arith.subi %sign3A_660, %sign3A_663 : i32
    %ne3A_665 = arith.cmpi ne, %sign3A_657, %sign3A_664 : i32
    %rem3A_666 = arith.remsi %add3A_630, %jit3A_649 : i32
    %ne3A_667 = arith.constant 0 : i32
    %ne3A_668 = arith.cmpi ne, %rem3A_666, %ne3A_667 : i32
    %and3A_669 = arith.andi %ne3A_665, %ne3A_668 : i1
    %sub3A_670 = arith.constant 1 : i32
    %sub3A_671 = arith.subi %div3A_650, %sub3A_670 : i32
    %select_n3A_672 = arith.select %and3A_669, %sub3A_671, %div3A_650 : i32
    %mul3A_673 = arith.constant 2048 : i32
    %mul3A_674 = arith.muli %select_n3A_672, %mul3A_673 : i32
    %dma_start3A_675 = tpu.memref_slice %arg2[%mul3A_648, %mul3A_674] : memref<64x100000xf32, #tpu.memory_space<hbm>> -> memref<8x2048xf32, #tpu.memory_space<hbm>>
    %dma_start3A_676 = tpu.memref_slice %arg2[%mul3A_648, %mul3A_674] : memref<64x100000xf32, #tpu.memory_space<hbm>> -> memref<8x2048xf32, #tpu.memory_space<hbm>>
    tpu.enqueue_dma source(%dma_start3A_676 : memref<8x2048xf32, #tpu.memory_space<hbm>>) target(%arg7 : memref<8x2048xf32, #tpu.memory_space<vmem>>) target_semaphore(%arg13 : memref<!tpu.dma_semaphore, #tpu.memory_space<semaphore_mem>>)
    %dma_wait3A_677 = tpu.memref_slice %arg2[%mul3A_201, %mul3A_227] : memref<64x100000xf32, #tpu.memory_space<hbm>> -> memref<8x2048xf32, #tpu.memory_space<hbm>>
    %dma_wait3A_678 = tpu.memref_slice %arg2[%mul3A_201, %mul3A_227] : memref<64x100000xf32, #tpu.memory_space<hbm>> -> memref<8x2048xf32, #tpu.memory_space<hbm>>
    tpu.wait_dma2 semaphore(%arg14 : memref<!tpu.dma_semaphore, #tpu.memory_space<semaphore_mem>>) src(%dma_wait3A_678 : memref<8x2048xf32, #tpu.memory_space<hbm>>) dst(%arg8 : memref<8x2048xf32, #tpu.memory_space<vmem>>)
    %add3A_679 = arith.constant 128 : i32
    %add3A_680 = arith.addi %add3A, %add3A_679 : i32
    %jit3A_681 = arith.constant 8 : i32
    %eq3A_682 = arith.constant 0 : i32
    %eq3A_683 = arith.cmpi eq, %jit3A_681, %eq3A_682 : i32
    %jit3A_684 = arith.constant 1 : i32
    %select_n3A_685 = arith.select %eq3A_683, %jit3A_684, %jit3A_681 : i32
    %rem3A_686 = arith.remsi %add3A_680, %select_n3A_685 : i32
    %ne3A_687 = arith.constant 0 : i32
    %ne3A_688 = arith.cmpi ne, %rem3A_686, %ne3A_687 : i32
    %lt3A_689 = arith.constant 0 : i32
    %lt3A_690 = arith.cmpi slt, %rem3A_686, %lt3A_689 : i32
    %lt3A_691 = arith.constant 0 : i32
    %lt3A_692 = arith.cmpi slt, %select_n3A_685, %lt3A_691 : i32
    %ne3A_693 = arith.xori %lt3A_690, %lt3A_692 : i1
    %and3A_694 = arith.andi %ne3A_693, %ne3A_688 : i1
    %add3A_695 = arith.addi %rem3A_686, %select_n3A_685 : i32
    %select_n3A_696 = arith.select %and3A_694, %add3A_695, %rem3A_686 : i32
    %mul3A_697 = arith.constant 8 : i32
    %mul3A_698 = arith.muli %select_n3A_696, %mul3A_697 : i32
    %jit3A_699 = arith.constant 8 : i32
    %div3A_700 = arith.divsi %add3A_680, %jit3A_699 : i32
    %sign3A_701 = arith.constant 0 : i32
    %sign3A_702 = arith.cmpi sgt, %add3A_680, %sign3A_701 : i32
    %sign3A_703 = arith.extui %sign3A_702 : i1 to i32
    %sign3A_704 = arith.constant 0 : i32
    %sign3A_705 = arith.cmpi slt, %add3A_680, %sign3A_704 : i32
    %sign3A_706 = arith.extui %sign3A_705 : i1 to i32
    %sign3A_707 = arith.subi %sign3A_703, %sign3A_706 : i32
    %sign3A_708 = arith.constant 0 : i32
    %sign3A_709 = arith.cmpi sgt, %jit3A_699, %sign3A_708 : i32
    %sign3A_710 = arith.extui %sign3A_709 : i1 to i32
    %sign3A_711 = arith.constant 0 : i32
    %sign3A_712 = arith.cmpi slt, %jit3A_699, %sign3A_711 : i32
    %sign3A_713 = arith.extui %sign3A_712 : i1 to i32
    %sign3A_714 = arith.subi %sign3A_710, %sign3A_713 : i32
    %ne3A_715 = arith.cmpi ne, %sign3A_707, %sign3A_714 : i32
    %rem3A_716 = arith.remsi %add3A_680, %jit3A_699 : i32
    %ne3A_717 = arith.constant 0 : i32
    %ne3A_718 = arith.cmpi ne, %rem3A_716, %ne3A_717 : i32
    %and3A_719 = arith.andi %ne3A_715, %ne3A_718 : i1
    %sub3A_720 = arith.constant 1 : i32
    %sub3A_721 = arith.subi %div3A_700, %sub3A_720 : i32
    %select_n3A_722 = arith.select %and3A_719, %sub3A_721, %div3A_700 : i32
    %mul3A_723 = arith.constant 2048 : i32
    %mul3A_724 = arith.muli %select_n3A_722, %mul3A_723 : i32
    %dma_start3A_725 = tpu.memref_slice %arg3[%mul3A_698, %mul3A_724] : memref<64x100000xf32, #tpu.memory_space<hbm>> -> memref<8x2048xf32, #tpu.memory_space<hbm>>
    %dma_start3A_726 = tpu.memref_slice %arg3[%mul3A_698, %mul3A_724] : memref<64x100000xf32, #tpu.memory_space<hbm>> -> memref<8x2048xf32, #tpu.memory_space<hbm>>
    tpu.enqueue_dma source(%arg8 : memref<8x2048xf32, #tpu.memory_space<vmem>>) target(%dma_start3A_726 : memref<8x2048xf32, #tpu.memory_space<hbm>>) target_semaphore(%arg20 : memref<!tpu.dma_semaphore, #tpu.memory_space<semaphore_mem>>)
    %dma_wait3A_727 = tpu.memref_slice %arg3[%mul3A_698, %mul3A_724] : memref<64x100000xf32, #tpu.memory_space<hbm>> -> memref<8x2048xf32, #tpu.memory_space<hbm>>
    %dma_wait3A_728 = tpu.memref_slice %arg3[%mul3A_698, %mul3A_724] : memref<64x100000xf32, #tpu.memory_space<hbm>> -> memref<8x2048xf32, #tpu.memory_space<hbm>>
    tpu.wait_dma2 semaphore(%arg20 : memref<!tpu.dma_semaphore, #tpu.memory_space<semaphore_mem>>) src(%arg8 : memref<8x2048xf32, #tpu.memory_space<vmem>>) dst(%dma_wait3A_728 : memref<8x2048xf32, #tpu.memory_space<hbm>>)
    %add3A_729 = arith.constant 320 : i32
    %add3A_730 = arith.addi %add3A, %add3A_729 : i32
    %jit3A_731 = arith.constant 8 : i32
    %eq3A_732 = arith.constant 0 : i32
    %eq3A_733 = arith.cmpi eq, %jit3A_731, %eq3A_732 : i32
    %jit3A_734 = arith.constant 1 : i32
    %select_n3A_735 = arith.select %eq3A_733, %jit3A_734, %jit3A_731 : i32
    %rem3A_736 = arith.remsi %add3A_730, %select_n3A_735 : i32
    %ne3A_737 = arith.constant 0 : i32
    %ne3A_738 = arith.cmpi ne, %rem3A_736, %ne3A_737 : i32
    %lt3A_739 = arith.constant 0 : i32
    %lt3A_740 = arith.cmpi slt, %rem3A_736, %lt3A_739 : i32
    %lt3A_741 = arith.constant 0 : i32
    %lt3A_742 = arith.cmpi slt, %select_n3A_735, %lt3A_741 : i32
    %ne3A_743 = arith.xori %lt3A_740, %lt3A_742 : i1
    %and3A_744 = arith.andi %ne3A_743, %ne3A_738 : i1
    %add3A_745 = arith.addi %rem3A_736, %select_n3A_735 : i32
    %select_n3A_746 = arith.select %and3A_744, %add3A_745, %rem3A_736 : i32
    %mul3A_747 = arith.constant 8 : i32
    %mul3A_748 = arith.muli %select_n3A_746, %mul3A_747 : i32
    %jit3A_749 = arith.constant 8 : i32
    %div3A_750 = arith.divsi %add3A_730, %jit3A_749 : i32
    %sign3A_751 = arith.constant 0 : i32
    %sign3A_752 = arith.cmpi sgt, %add3A_730, %sign3A_751 : i32
    %sign3A_753 = arith.extui %sign3A_752 : i1 to i32
    %sign3A_754 = arith.constant 0 : i32
    %sign3A_755 = arith.cmpi slt, %add3A_730, %sign3A_754 : i32
    %sign3A_756 = arith.extui %sign3A_755 : i1 to i32
    %sign3A_757 = arith.subi %sign3A_753, %sign3A_756 : i32
    %sign3A_758 = arith.constant 0 : i32
    %sign3A_759 = arith.cmpi sgt, %jit3A_749, %sign3A_758 : i32
    %sign3A_760 = arith.extui %sign3A_759 : i1 to i32
    %sign3A_761 = arith.constant 0 : i32
    %sign3A_762 = arith.cmpi slt, %jit3A_749, %sign3A_761 : i32
    %sign3A_763 = arith.extui %sign3A_762 : i1 to i32
    %sign3A_764 = arith.subi %sign3A_760, %sign3A_763 : i32
    %ne3A_765 = arith.cmpi ne, %sign3A_757, %sign3A_764 : i32
    %rem3A_766 = arith.remsi %add3A_730, %jit3A_749 : i32
    %ne3A_767 = arith.constant 0 : i32
    %ne3A_768 = arith.cmpi ne, %rem3A_766, %ne3A_767 : i32
    %and3A_769 = arith.andi %ne3A_765, %ne3A_768 : i1
    %sub3A_770 = arith.constant 1 : i32
    %sub3A_771 = arith.subi %div3A_750, %sub3A_770 : i32
    %select_n3A_772 = arith.select %and3A_769, %sub3A_771, %div3A_750 : i32
    %mul3A_773 = arith.constant 2048 : i32
    %mul3A_774 = arith.muli %select_n3A_772, %mul3A_773 : i32
    %dma_start3A_775 = tpu.memref_slice %arg2[%mul3A_748, %mul3A_774] : memref<64x100000xf32, #tpu.memory_space<hbm>> -> memref<8x2048xf32, #tpu.memory_space<hbm>>
    %dma_start3A_776 = tpu.memref_slice %arg2[%mul3A_748, %mul3A_774] : memref<64x100000xf32, #tpu.memory_space<hbm>> -> memref<8x2048xf32, #tpu.memory_space<hbm>>
    tpu.enqueue_dma source(%dma_start3A_776 : memref<8x2048xf32, #tpu.memory_space<hbm>>) target(%arg8 : memref<8x2048xf32, #tpu.memory_space<vmem>>) target_semaphore(%arg14 : memref<!tpu.dma_semaphore, #tpu.memory_space<semaphore_mem>>)
    %dma_wait3A_777 = tpu.memref_slice %arg2[%mul3A_249, %mul3A_275] : memref<64x100000xf32, #tpu.memory_space<hbm>> -> memref<8x2048xf32, #tpu.memory_space<hbm>>
    %dma_wait3A_778 = tpu.memref_slice %arg2[%mul3A_249, %mul3A_275] : memref<64x100000xf32, #tpu.memory_space<hbm>> -> memref<8x2048xf32, #tpu.memory_space<hbm>>
    tpu.wait_dma2 semaphore(%arg15 : memref<!tpu.dma_semaphore, #tpu.memory_space<semaphore_mem>>) src(%dma_wait3A_778 : memref<8x2048xf32, #tpu.memory_space<hbm>>) dst(%arg9 : memref<8x2048xf32, #tpu.memory_space<vmem>>)
    %add3A_779 = arith.constant 160 : i32
    %add3A_780 = arith.addi %add3A, %add3A_779 : i32
    %jit3A_781 = arith.constant 8 : i32
    %eq3A_782 = arith.constant 0 : i32
    %eq3A_783 = arith.cmpi eq, %jit3A_781, %eq3A_782 : i32
    %jit3A_784 = arith.constant 1 : i32
    %select_n3A_785 = arith.select %eq3A_783, %jit3A_784, %jit3A_781 : i32
    %rem3A_786 = arith.remsi %add3A_780, %select_n3A_785 : i32
    %ne3A_787 = arith.constant 0 : i32
    %ne3A_788 = arith.cmpi ne, %rem3A_786, %ne3A_787 : i32
    %lt3A_789 = arith.constant 0 : i32
    %lt3A_790 = arith.cmpi slt, %rem3A_786, %lt3A_789 : i32
    %lt3A_791 = arith.constant 0 : i32
    %lt3A_792 = arith.cmpi slt, %select_n3A_785, %lt3A_791 : i32
    %ne3A_793 = arith.xori %lt3A_790, %lt3A_792 : i1
    %and3A_794 = arith.andi %ne3A_793, %ne3A_788 : i1
    %add3A_795 = arith.addi %rem3A_786, %select_n3A_785 : i32
    %select_n3A_796 = arith.select %and3A_794, %add3A_795, %rem3A_786 : i32
    %mul3A_797 = arith.constant 8 : i32
    %mul3A_798 = arith.muli %select_n3A_796, %mul3A_797 : i32
    %jit3A_799 = arith.constant 8 : i32
    %div3A_800 = arith.divsi %add3A_780, %jit3A_799 : i32
    %sign3A_801 = arith.constant 0 : i32
    %sign3A_802 = arith.cmpi sgt, %add3A_780, %sign3A_801 : i32
    %sign3A_803 = arith.extui %sign3A_802 : i1 to i32
    %sign3A_804 = arith.constant 0 : i32
    %sign3A_805 = arith.cmpi slt, %add3A_780, %sign3A_804 : i32
    %sign3A_806 = arith.extui %sign3A_805 : i1 to i32
    %sign3A_807 = arith.subi %sign3A_803, %sign3A_806 : i32
    %sign3A_808 = arith.constant 0 : i32
    %sign3A_809 = arith.cmpi sgt, %jit3A_799, %sign3A_808 : i32
    %sign3A_810 = arith.extui %sign3A_809 : i1 to i32
    %sign3A_811 = arith.constant 0 : i32
    %sign3A_812 = arith.cmpi slt, %jit3A_799, %sign3A_811 : i32
    %sign3A_813 = arith.extui %sign3A_812 : i1 to i32
    %sign3A_814 = arith.subi %sign3A_810, %sign3A_813 : i32
    %ne3A_815 = arith.cmpi ne, %sign3A_807, %sign3A_814 : i32
    %rem3A_816 = arith.remsi %add3A_780, %jit3A_799 : i32
    %ne3A_817 = arith.constant 0 : i32
    %ne3A_818 = arith.cmpi ne, %rem3A_816, %ne3A_817 : i32
    %and3A_819 = arith.andi %ne3A_815, %ne3A_818 : i1
    %sub3A_820 = arith.constant 1 : i32
    %sub3A_821 = arith.subi %div3A_800, %sub3A_820 : i32
    %select_n3A_822 = arith.select %and3A_819, %sub3A_821, %div3A_800 : i32
    %mul3A_823 = arith.constant 2048 : i32
    %mul3A_824 = arith.muli %select_n3A_822, %mul3A_823 : i32
    %dma_start3A_825 = tpu.memref_slice %arg3[%mul3A_798, %mul3A_824] : memref<64x100000xf32, #tpu.memory_space<hbm>> -> memref<8x2048xf32, #tpu.memory_space<hbm>>
    %dma_start3A_826 = tpu.memref_slice %arg3[%mul3A_798, %mul3A_824] : memref<64x100000xf32, #tpu.memory_space<hbm>> -> memref<8x2048xf32, #tpu.memory_space<hbm>>
    tpu.enqueue_dma source(%arg9 : memref<8x2048xf32, #tpu.memory_space<vmem>>) target(%dma_start3A_826 : memref<8x2048xf32, #tpu.memory_space<hbm>>) target_semaphore(%arg21 : memref<!tpu.dma_semaphore, #tpu.memory_space<semaphore_mem>>)
    %dma_wait3A_827 = tpu.memref_slice %arg3[%mul3A_798, %mul3A_824] : memref<64x100000xf32, #tpu.memory_space<hbm>> -> memref<8x2048xf32, #tpu.memory_space<hbm>>
    %dma_wait3A_828 = tpu.memref_slice %arg3[%mul3A_798, %mul3A_824] : memref<64x100000xf32, #tpu.memory_space<hbm>> -> memref<8x2048xf32, #tpu.memory_space<hbm>>
    tpu.wait_dma2 semaphore(%arg21 : memref<!tpu.dma_semaphore, #tpu.memory_space<semaphore_mem>>) src(%arg9 : memref<8x2048xf32, #tpu.memory_space<vmem>>) dst(%dma_wait3A_828 : memref<8x2048xf32, #tpu.memory_space<hbm>>)
    %add3A_829 = arith.constant 352 : i32
    %add3A_830 = arith.addi %add3A, %add3A_829 : i32
    %jit3A_831 = arith.constant 8 : i32
    %eq3A_832 = arith.constant 0 : i32
    %eq3A_833 = arith.cmpi eq, %jit3A_831, %eq3A_832 : i32
    %jit3A_834 = arith.constant 1 : i32
    %select_n3A_835 = arith.select %eq3A_833, %jit3A_834, %jit3A_831 : i32
    %rem3A_836 = arith.remsi %add3A_830, %select_n3A_835 : i32
    %ne3A_837 = arith.constant 0 : i32
    %ne3A_838 = arith.cmpi ne, %rem3A_836, %ne3A_837 : i32
    %lt3A_839 = arith.constant 0 : i32
    %lt3A_840 = arith.cmpi slt, %rem3A_836, %lt3A_839 : i32
    %lt3A_841 = arith.constant 0 : i32
    %lt3A_842 = arith.cmpi slt, %select_n3A_835, %lt3A_841 : i32
    %ne3A_843 = arith.xori %lt3A_840, %lt3A_842 : i1
    %and3A_844 = arith.andi %ne3A_843, %ne3A_838 : i1
    %add3A_845 = arith.addi %rem3A_836, %select_n3A_835 : i32
    %select_n3A_846 = arith.select %and3A_844, %add3A_845, %rem3A_836 : i32
    %mul3A_847 = arith.constant 8 : i32
    %mul3A_848 = arith.muli %select_n3A_846, %mul3A_847 : i32
    %jit3A_849 = arith.constant 8 : i32
    %div3A_850 = arith.divsi %add3A_830, %jit3A_849 : i32
    %sign3A_851 = arith.constant 0 : i32
    %sign3A_852 = arith.cmpi sgt, %add3A_830, %sign3A_851 : i32
    %sign3A_853 = arith.extui %sign3A_852 : i1 to i32
    %sign3A_854 = arith.constant 0 : i32
    %sign3A_855 = arith.cmpi slt, %add3A_830, %sign3A_854 : i32
    %sign3A_856 = arith.extui %sign3A_855 : i1 to i32
    %sign3A_857 = arith.subi %sign3A_853, %sign3A_856 : i32
    %sign3A_858 = arith.constant 0 : i32
    %sign3A_859 = arith.cmpi sgt, %jit3A_849, %sign3A_858 : i32
    %sign3A_860 = arith.extui %sign3A_859 : i1 to i32
    %sign3A_861 = arith.constant 0 : i32
    %sign3A_862 = arith.cmpi slt, %jit3A_849, %sign3A_861 : i32
    %sign3A_863 = arith.extui %sign3A_862 : i1 to i32
    %sign3A_864 = arith.subi %sign3A_860, %sign3A_863 : i32
    %ne3A_865 = arith.cmpi ne, %sign3A_857, %sign3A_864 : i32
    %rem3A_866 = arith.remsi %add3A_830, %jit3A_849 : i32
    %ne3A_867 = arith.constant 0 : i32
    %ne3A_868 = arith.cmpi ne, %rem3A_866, %ne3A_867 : i32
    %and3A_869 = arith.andi %ne3A_865, %ne3A_868 : i1
    %sub3A_870 = arith.constant 1 : i32
    %sub3A_871 = arith.subi %div3A_850, %sub3A_870 : i32
    %select_n3A_872 = arith.select %and3A_869, %sub3A_871, %div3A_850 : i32
    %mul3A_873 = arith.constant 2048 : i32
    %mul3A_874 = arith.muli %select_n3A_872, %mul3A_873 : i32
    %dma_start3A_875 = tpu.memref_slice %arg2[%mul3A_848, %mul3A_874] : memref<64x100000xf32, #tpu.memory_space<hbm>> -> memref<8x2048xf32, #tpu.memory_space<hbm>>
    %dma_start3A_876 = tpu.memref_slice %arg2[%mul3A_848, %mul3A_874] : memref<64x100000xf32, #tpu.memory_space<hbm>> -> memref<8x2048xf32, #tpu.memory_space<hbm>>
    tpu.enqueue_dma source(%dma_start3A_876 : memref<8x2048xf32, #tpu.memory_space<hbm>>) target(%arg9 : memref<8x2048xf32, #tpu.memory_space<vmem>>) target_semaphore(%arg15 : memref<!tpu.dma_semaphore, #tpu.memory_space<semaphore_mem>>)
    %dma_wait3A_877 = tpu.memref_slice %arg2[%mul3A_348, %mul3A_374] : memref<64x100000xf32, #tpu.memory_space<hbm>> -> memref<8x2048xf32, #tpu.memory_space<hbm>>
    %dma_wait3A_878 = tpu.memref_slice %arg2[%mul3A_348, %mul3A_374] : memref<64x100000xf32, #tpu.memory_space<hbm>> -> memref<8x2048xf32, #tpu.memory_space<hbm>>
    tpu.wait_dma2 semaphore(%arg10 : memref<!tpu.dma_semaphore, #tpu.memory_space<semaphore_mem>>) src(%dma_wait3A_878 : memref<8x2048xf32, #tpu.memory_space<hbm>>) dst(%arg4 : memref<8x2048xf32, #tpu.memory_space<vmem>>)
    %add3A_879 = arith.constant 192 : i32
    %add3A_880 = arith.addi %add3A, %add3A_879 : i32
    %jit3A_881 = arith.constant 8 : i32
    %eq3A_882 = arith.constant 0 : i32
    %eq3A_883 = arith.cmpi eq, %jit3A_881, %eq3A_882 : i32
    %jit3A_884 = arith.constant 1 : i32
    %select_n3A_885 = arith.select %eq3A_883, %jit3A_884, %jit3A_881 : i32
    %rem3A_886 = arith.remsi %add3A_880, %select_n3A_885 : i32
    %ne3A_887 = arith.constant 0 : i32
    %ne3A_888 = arith.cmpi ne, %rem3A_886, %ne3A_887 : i32
    %lt3A_889 = arith.constant 0 : i32
    %lt3A_890 = arith.cmpi slt, %rem3A_886, %lt3A_889 : i32
    %lt3A_891 = arith.constant 0 : i32
    %lt3A_892 = arith.cmpi slt, %select_n3A_885, %lt3A_891 : i32
    %ne3A_893 = arith.xori %lt3A_890, %lt3A_892 : i1
    %and3A_894 = arith.andi %ne3A_893, %ne3A_888 : i1
    %add3A_895 = arith.addi %rem3A_886, %select_n3A_885 : i32
    %select_n3A_896 = arith.select %and3A_894, %add3A_895, %rem3A_886 : i32
    %mul3A_897 = arith.constant 8 : i32
    %mul3A_898 = arith.muli %select_n3A_896, %mul3A_897 : i32
    %jit3A_899 = arith.constant 8 : i32
    %div3A_900 = arith.divsi %add3A_880, %jit3A_899 : i32
    %sign3A_901 = arith.constant 0 : i32
    %sign3A_902 = arith.cmpi sgt, %add3A_880, %sign3A_901 : i32
    %sign3A_903 = arith.extui %sign3A_902 : i1 to i32
    %sign3A_904 = arith.constant 0 : i32
    %sign3A_905 = arith.cmpi slt, %add3A_880, %sign3A_904 : i32
    %sign3A_906 = arith.extui %sign3A_905 : i1 to i32
    %sign3A_907 = arith.subi %sign3A_903, %sign3A_906 : i32
    %sign3A_908 = arith.constant 0 : i32
    %sign3A_909 = arith.cmpi sgt, %jit3A_899, %sign3A_908 : i32
    %sign3A_910 = arith.extui %sign3A_909 : i1 to i32
    %sign3A_911 = arith.constant 0 : i32
    %sign3A_912 = arith.cmpi slt, %jit3A_899, %sign3A_911 : i32
    %sign3A_913 = arith.extui %sign3A_912 : i1 to i32
    %sign3A_914 = arith.subi %sign3A_910, %sign3A_913 : i32
    %ne3A_915 = arith.cmpi ne, %sign3A_907, %sign3A_914 : i32
    %rem3A_916 = arith.remsi %add3A_880, %jit3A_899 : i32
    %ne3A_917 = arith.constant 0 : i32
    %ne3A_918 = arith.cmpi ne, %rem3A_916, %ne3A_917 : i32
    %and3A_919 = arith.andi %ne3A_915, %ne3A_918 : i1
    %sub3A_920 = arith.constant 1 : i32
    %sub3A_921 = arith.subi %div3A_900, %sub3A_920 : i32
    %select_n3A_922 = arith.select %and3A_919, %sub3A_921, %div3A_900 : i32
    %mul3A_923 = arith.constant 2048 : i32
    %mul3A_924 = arith.muli %select_n3A_922, %mul3A_923 : i32
    %dma_start3A_925 = tpu.memref_slice %arg3[%mul3A_898, %mul3A_924] : memref<64x100000xf32, #tpu.memory_space<hbm>> -> memref<8x2048xf32, #tpu.memory_space<hbm>>
    %dma_start3A_926 = tpu.memref_slice %arg3[%mul3A_898, %mul3A_924] : memref<64x100000xf32, #tpu.memory_space<hbm>> -> memref<8x2048xf32, #tpu.memory_space<hbm>>
    tpu.enqueue_dma source(%arg4 : memref<8x2048xf32, #tpu.memory_space<vmem>>) target(%dma_start3A_926 : memref<8x2048xf32, #tpu.memory_space<hbm>>) target_semaphore(%arg16 : memref<!tpu.dma_semaphore, #tpu.memory_space<semaphore_mem>>)
    %dma_wait3A_927 = tpu.memref_slice %arg2[%mul3A_448, %mul3A_474] : memref<64x100000xf32, #tpu.memory_space<hbm>> -> memref<8x2048xf32, #tpu.memory_space<hbm>>
    %dma_wait3A_928 = tpu.memref_slice %arg2[%mul3A_448, %mul3A_474] : memref<64x100000xf32, #tpu.memory_space<hbm>> -> memref<8x2048xf32, #tpu.memory_space<hbm>>
    tpu.wait_dma2 semaphore(%arg11 : memref<!tpu.dma_semaphore, #tpu.memory_space<semaphore_mem>>) src(%dma_wait3A_928 : memref<8x2048xf32, #tpu.memory_space<hbm>>) dst(%arg5 : memref<8x2048xf32, #tpu.memory_space<vmem>>)
    %add3A_929 = arith.constant 224 : i32
    %add3A_930 = arith.addi %add3A, %add3A_929 : i32
    %jit3A_931 = arith.constant 8 : i32
    %eq3A_932 = arith.constant 0 : i32
    %eq3A_933 = arith.cmpi eq, %jit3A_931, %eq3A_932 : i32
    %jit3A_934 = arith.constant 1 : i32
    %select_n3A_935 = arith.select %eq3A_933, %jit3A_934, %jit3A_931 : i32
    %rem3A_936 = arith.remsi %add3A_930, %select_n3A_935 : i32
    %ne3A_937 = arith.constant 0 : i32
    %ne3A_938 = arith.cmpi ne, %rem3A_936, %ne3A_937 : i32
    %lt3A_939 = arith.constant 0 : i32
    %lt3A_940 = arith.cmpi slt, %rem3A_936, %lt3A_939 : i32
    %lt3A_941 = arith.constant 0 : i32
    %lt3A_942 = arith.cmpi slt, %select_n3A_935, %lt3A_941 : i32
    %ne3A_943 = arith.xori %lt3A_940, %lt3A_942 : i1
    %and3A_944 = arith.andi %ne3A_943, %ne3A_938 : i1
    %add3A_945 = arith.addi %rem3A_936, %select_n3A_935 : i32
    %select_n3A_946 = arith.select %and3A_944, %add3A_945, %rem3A_936 : i32
    %mul3A_947 = arith.constant 8 : i32
    %mul3A_948 = arith.muli %select_n3A_946, %mul3A_947 : i32
    %jit3A_949 = arith.constant 8 : i32
    %div3A_950 = arith.divsi %add3A_930, %jit3A_949 : i32
    %sign3A_951 = arith.constant 0 : i32
    %sign3A_952 = arith.cmpi sgt, %add3A_930, %sign3A_951 : i32
    %sign3A_953 = arith.extui %sign3A_952 : i1 to i32
    %sign3A_954 = arith.constant 0 : i32
    %sign3A_955 = arith.cmpi slt, %add3A_930, %sign3A_954 : i32
    %sign3A_956 = arith.extui %sign3A_955 : i1 to i32
    %sign3A_957 = arith.subi %sign3A_953, %sign3A_956 : i32
    %sign3A_958 = arith.constant 0 : i32
    %sign3A_959 = arith.cmpi sgt, %jit3A_949, %sign3A_958 : i32
    %sign3A_960 = arith.extui %sign3A_959 : i1 to i32
    %sign3A_961 = arith.constant 0 : i32
    %sign3A_962 = arith.cmpi slt, %jit3A_949, %sign3A_961 : i32
    %sign3A_963 = arith.extui %sign3A_962 : i1 to i32
    %sign3A_964 = arith.subi %sign3A_960, %sign3A_963 : i32
    %ne3A_965 = arith.cmpi ne, %sign3A_957, %sign3A_964 : i32
    %rem3A_966 = arith.remsi %add3A_930, %jit3A_949 : i32
    %ne3A_967 = arith.constant 0 : i32
    %ne3A_968 = arith.cmpi ne, %rem3A_966, %ne3A_967 : i32
    %and3A_969 = arith.andi %ne3A_965, %ne3A_968 : i1
    %sub3A_970 = arith.constant 1 : i32
    %sub3A_971 = arith.subi %div3A_950, %sub3A_970 : i32
    %select_n3A_972 = arith.select %and3A_969, %sub3A_971, %div3A_950 : i32
    %mul3A_973 = arith.constant 2048 : i32
    %mul3A_974 = arith.muli %select_n3A_972, %mul3A_973 : i32
    %dma_start3A_975 = tpu.memref_slice %arg3[%mul3A_948, %mul3A_974] : memref<64x100000xf32, #tpu.memory_space<hbm>> -> memref<8x2048xf32, #tpu.memory_space<hbm>>
    %dma_start3A_976 = tpu.memref_slice %arg3[%mul3A_948, %mul3A_974] : memref<64x100000xf32, #tpu.memory_space<hbm>> -> memref<8x2048xf32, #tpu.memory_space<hbm>>
    tpu.enqueue_dma source(%arg5 : memref<8x2048xf32, #tpu.memory_space<vmem>>) target(%dma_start3A_976 : memref<8x2048xf32, #tpu.memory_space<hbm>>) target_semaphore(%arg17 : memref<!tpu.dma_semaphore, #tpu.memory_space<semaphore_mem>>)
    %dma_wait3A_977 = tpu.memref_slice %arg2[%mul3A_548, %mul3A_574] : memref<64x100000xf32, #tpu.memory_space<hbm>> -> memref<8x2048xf32, #tpu.memory_space<hbm>>
    %dma_wait3A_978 = tpu.memref_slice %arg2[%mul3A_548, %mul3A_574] : memref<64x100000xf32, #tpu.memory_space<hbm>> -> memref<8x2048xf32, #tpu.memory_space<hbm>>
    tpu.wait_dma2 semaphore(%arg12 : memref<!tpu.dma_semaphore, #tpu.memory_space<semaphore_mem>>) src(%dma_wait3A_978 : memref<8x2048xf32, #tpu.memory_space<hbm>>) dst(%arg6 : memref<8x2048xf32, #tpu.memory_space<vmem>>)
    %add3A_979 = arith.constant 256 : i32
    %add3A_980 = arith.addi %add3A, %add3A_979 : i32
    %jit3A_981 = arith.constant 8 : i32
    %eq3A_982 = arith.constant 0 : i32
    %eq3A_983 = arith.cmpi eq, %jit3A_981, %eq3A_982 : i32
    %jit3A_984 = arith.constant 1 : i32
    %select_n3A_985 = arith.select %eq3A_983, %jit3A_984, %jit3A_981 : i32
    %rem3A_986 = arith.remsi %add3A_980, %select_n3A_985 : i32
    %ne3A_987 = arith.constant 0 : i32
    %ne3A_988 = arith.cmpi ne, %rem3A_986, %ne3A_987 : i32
    %lt3A_989 = arith.constant 0 : i32
    %lt3A_990 = arith.cmpi slt, %rem3A_986, %lt3A_989 : i32
    %lt3A_991 = arith.constant 0 : i32
    %lt3A_992 = arith.cmpi slt, %select_n3A_985, %lt3A_991 : i32
    %ne3A_993 = arith.xori %lt3A_990, %lt3A_992 : i1
    %and3A_994 = arith.andi %ne3A_993, %ne3A_988 : i1
    %add3A_995 = arith.addi %rem3A_986, %select_n3A_985 : i32
    %select_n3A_996 = arith.select %and3A_994, %add3A_995, %rem3A_986 : i32
    %mul3A_997 = arith.constant 8 : i32
    %mul3A_998 = arith.muli %select_n3A_996, %mul3A_997 : i32
    %jit3A_999 = arith.constant 8 : i32
    %div3A_1000 = arith.divsi %add3A_980, %jit3A_999 : i32
    %sign3A_1001 = arith.constant 0 : i32
    %sign3A_1002 = arith.cmpi sgt, %add3A_980, %sign3A_1001 : i32
    %sign3A_1003 = arith.extui %sign3A_1002 : i1 to i32
    %sign3A_1004 = arith.constant 0 : i32
    %sign3A_1005 = arith.cmpi slt, %add3A_980, %sign3A_1004 : i32
    %sign3A_1006 = arith.extui %sign3A_1005 : i1 to i32
    %sign3A_1007 = arith.subi %sign3A_1003, %sign3A_1006 : i32
    %sign3A_1008 = arith.constant 0 : i32
    %sign3A_1009 = arith.cmpi sgt, %jit3A_999, %sign3A_1008 : i32
    %sign3A_1010 = arith.extui %sign3A_1009 : i1 to i32
    %sign3A_1011 = arith.constant 0 : i32
    %sign3A_1012 = arith.cmpi slt, %jit3A_999, %sign3A_1011 : i32
    %sign3A_1013 = arith.extui %sign3A_1012 : i1 to i32
    %sign3A_1014 = arith.subi %sign3A_1010, %sign3A_1013 : i32
    %ne3A_1015 = arith.cmpi ne, %sign3A_1007, %sign3A_1014 : i32
    %rem3A_1016 = arith.remsi %add3A_980, %jit3A_999 : i32
    %ne3A_1017 = arith.constant 0 : i32
    %ne3A_1018 = arith.cmpi ne, %rem3A_1016, %ne3A_1017 : i32
    %and3A_1019 = arith.andi %ne3A_1015, %ne3A_1018 : i1
    %sub3A_1020 = arith.constant 1 : i32
    %sub3A_1021 = arith.subi %div3A_1000, %sub3A_1020 : i32
    %select_n3A_1022 = arith.select %and3A_1019, %sub3A_1021, %div3A_1000 : i32
    %mul3A_1023 = arith.constant 2048 : i32
    %mul3A_1024 = arith.muli %select_n3A_1022, %mul3A_1023 : i32
    %dma_start3A_1025 = tpu.memref_slice %arg3[%mul3A_998, %mul3A_1024] : memref<64x100000xf32, #tpu.memory_space<hbm>> -> memref<8x2048xf32, #tpu.memory_space<hbm>>
    %dma_start3A_1026 = tpu.memref_slice %arg3[%mul3A_998, %mul3A_1024] : memref<64x100000xf32, #tpu.memory_space<hbm>> -> memref<8x2048xf32, #tpu.memory_space<hbm>>
    tpu.enqueue_dma source(%arg6 : memref<8x2048xf32, #tpu.memory_space<vmem>>) target(%dma_start3A_1026 : memref<8x2048xf32, #tpu.memory_space<hbm>>) target_semaphore(%arg18 : memref<!tpu.dma_semaphore, #tpu.memory_space<semaphore_mem>>)
    %dma_wait3A_1027 = tpu.memref_slice %arg2[%mul3A_648, %mul3A_674] : memref<64x100000xf32, #tpu.memory_space<hbm>> -> memref<8x2048xf32, #tpu.memory_space<hbm>>
    %dma_wait3A_1028 = tpu.memref_slice %arg2[%mul3A_648, %mul3A_674] : memref<64x100000xf32, #tpu.memory_space<hbm>> -> memref<8x2048xf32, #tpu.memory_space<hbm>>
    tpu.wait_dma2 semaphore(%arg13 : memref<!tpu.dma_semaphore, #tpu.memory_space<semaphore_mem>>) src(%dma_wait3A_1028 : memref<8x2048xf32, #tpu.memory_space<hbm>>) dst(%arg7 : memref<8x2048xf32, #tpu.memory_space<vmem>>)
    %add3A_1029 = arith.constant 288 : i32
    %add3A_1030 = arith.addi %add3A, %add3A_1029 : i32
    %jit3A_1031 = arith.constant 8 : i32
    %eq3A_1032 = arith.constant 0 : i32
    %eq3A_1033 = arith.cmpi eq, %jit3A_1031, %eq3A_1032 : i32
    %jit3A_1034 = arith.constant 1 : i32
    %select_n3A_1035 = arith.select %eq3A_1033, %jit3A_1034, %jit3A_1031 : i32
    %rem3A_1036 = arith.remsi %add3A_1030, %select_n3A_1035 : i32
    %ne3A_1037 = arith.constant 0 : i32
    %ne3A_1038 = arith.cmpi ne, %rem3A_1036, %ne3A_1037 : i32
    %lt3A_1039 = arith.constant 0 : i32
    %lt3A_1040 = arith.cmpi slt, %rem3A_1036, %lt3A_1039 : i32
    %lt3A_1041 = arith.constant 0 : i32
    %lt3A_1042 = arith.cmpi slt, %select_n3A_1035, %lt3A_1041 : i32
    %ne3A_1043 = arith.xori %lt3A_1040, %lt3A_1042 : i1
    %and3A_1044 = arith.andi %ne3A_1043, %ne3A_1038 : i1
    %add3A_1045 = arith.addi %rem3A_1036, %select_n3A_1035 : i32
    %select_n3A_1046 = arith.select %and3A_1044, %add3A_1045, %rem3A_1036 : i32
    %mul3A_1047 = arith.constant 8 : i32
    %mul3A_1048 = arith.muli %select_n3A_1046, %mul3A_1047 : i32
    %jit3A_1049 = arith.constant 8 : i32
    %div3A_1050 = arith.divsi %add3A_1030, %jit3A_1049 : i32
    %sign3A_1051 = arith.constant 0 : i32
    %sign3A_1052 = arith.cmpi sgt, %add3A_1030, %sign3A_1051 : i32
    %sign3A_1053 = arith.extui %sign3A_1052 : i1 to i32
    %sign3A_1054 = arith.constant 0 : i32
    %sign3A_1055 = arith.cmpi slt, %add3A_1030, %sign3A_1054 : i32
    %sign3A_1056 = arith.extui %sign3A_1055 : i1 to i32
    %sign3A_1057 = arith.subi %sign3A_1053, %sign3A_1056 : i32
    %sign3A_1058 = arith.constant 0 : i32
    %sign3A_1059 = arith.cmpi sgt, %jit3A_1049, %sign3A_1058 : i32
    %sign3A_1060 = arith.extui %sign3A_1059 : i1 to i32
    %sign3A_1061 = arith.constant 0 : i32
    %sign3A_1062 = arith.cmpi slt, %jit3A_1049, %sign3A_1061 : i32
    %sign3A_1063 = arith.extui %sign3A_1062 : i1 to i32
    %sign3A_1064 = arith.subi %sign3A_1060, %sign3A_1063 : i32
    %ne3A_1065 = arith.cmpi ne, %sign3A_1057, %sign3A_1064 : i32
    %rem3A_1066 = arith.remsi %add3A_1030, %jit3A_1049 : i32
    %ne3A_1067 = arith.constant 0 : i32
    %ne3A_1068 = arith.cmpi ne, %rem3A_1066, %ne3A_1067 : i32
    %and3A_1069 = arith.andi %ne3A_1065, %ne3A_1068 : i1
    %sub3A_1070 = arith.constant 1 : i32
    %sub3A_1071 = arith.subi %div3A_1050, %sub3A_1070 : i32
    %select_n3A_1072 = arith.select %and3A_1069, %sub3A_1071, %div3A_1050 : i32
    %mul3A_1073 = arith.constant 2048 : i32
    %mul3A_1074 = arith.muli %select_n3A_1072, %mul3A_1073 : i32
    %dma_start3A_1075 = tpu.memref_slice %arg3[%mul3A_1048, %mul3A_1074] : memref<64x100000xf32, #tpu.memory_space<hbm>> -> memref<8x2048xf32, #tpu.memory_space<hbm>>
    %dma_start3A_1076 = tpu.memref_slice %arg3[%mul3A_1048, %mul3A_1074] : memref<64x100000xf32, #tpu.memory_space<hbm>> -> memref<8x2048xf32, #tpu.memory_space<hbm>>
    tpu.enqueue_dma source(%arg7 : memref<8x2048xf32, #tpu.memory_space<vmem>>) target(%dma_start3A_1076 : memref<8x2048xf32, #tpu.memory_space<hbm>>) target_semaphore(%arg19 : memref<!tpu.dma_semaphore, #tpu.memory_space<semaphore_mem>>)
    %dma_wait3A_1077 = tpu.memref_slice %arg2[%mul3A_748, %mul3A_774] : memref<64x100000xf32, #tpu.memory_space<hbm>> -> memref<8x2048xf32, #tpu.memory_space<hbm>>
    %dma_wait3A_1078 = tpu.memref_slice %arg2[%mul3A_748, %mul3A_774] : memref<64x100000xf32, #tpu.memory_space<hbm>> -> memref<8x2048xf32, #tpu.memory_space<hbm>>
    tpu.wait_dma2 semaphore(%arg14 : memref<!tpu.dma_semaphore, #tpu.memory_space<semaphore_mem>>) src(%dma_wait3A_1078 : memref<8x2048xf32, #tpu.memory_space<hbm>>) dst(%arg8 : memref<8x2048xf32, #tpu.memory_space<vmem>>)
    %add3A_1079 = arith.constant 320 : i32
    %add3A_1080 = arith.addi %add3A, %add3A_1079 : i32
    %jit3A_1081 = arith.constant 8 : i32
    %eq3A_1082 = arith.constant 0 : i32
    %eq3A_1083 = arith.cmpi eq, %jit3A_1081, %eq3A_1082 : i32
    %jit3A_1084 = arith.constant 1 : i32
    %select_n3A_1085 = arith.select %eq3A_1083, %jit3A_1084, %jit3A_1081 : i32
    %rem3A_1086 = arith.remsi %add3A_1080, %select_n3A_1085 : i32
    %ne3A_1087 = arith.constant 0 : i32
    %ne3A_1088 = arith.cmpi ne, %rem3A_1086, %ne3A_1087 : i32
    %lt3A_1089 = arith.constant 0 : i32
    %lt3A_1090 = arith.cmpi slt, %rem3A_1086, %lt3A_1089 : i32
    %lt3A_1091 = arith.constant 0 : i32
    %lt3A_1092 = arith.cmpi slt, %select_n3A_1085, %lt3A_1091 : i32
    %ne3A_1093 = arith.xori %lt3A_1090, %lt3A_1092 : i1
    %and3A_1094 = arith.andi %ne3A_1093, %ne3A_1088 : i1
    %add3A_1095 = arith.addi %rem3A_1086, %select_n3A_1085 : i32
    %select_n3A_1096 = arith.select %and3A_1094, %add3A_1095, %rem3A_1086 : i32
    %mul3A_1097 = arith.constant 8 : i32
    %mul3A_1098 = arith.muli %select_n3A_1096, %mul3A_1097 : i32
    %jit3A_1099 = arith.constant 8 : i32
    %div3A_1100 = arith.divsi %add3A_1080, %jit3A_1099 : i32
    %sign3A_1101 = arith.constant 0 : i32
    %sign3A_1102 = arith.cmpi sgt, %add3A_1080, %sign3A_1101 : i32
    %sign3A_1103 = arith.extui %sign3A_1102 : i1 to i32
    %sign3A_1104 = arith.constant 0 : i32
    %sign3A_1105 = arith.cmpi slt, %add3A_1080, %sign3A_1104 : i32
    %sign3A_1106 = arith.extui %sign3A_1105 : i1 to i32
    %sign3A_1107 = arith.subi %sign3A_1103, %sign3A_1106 : i32
    %sign3A_1108 = arith.constant 0 : i32
    %sign3A_1109 = arith.cmpi sgt, %jit3A_1099, %sign3A_1108 : i32
    %sign3A_1110 = arith.extui %sign3A_1109 : i1 to i32
    %sign3A_1111 = arith.constant 0 : i32
    %sign3A_1112 = arith.cmpi slt, %jit3A_1099, %sign3A_1111 : i32
    %sign3A_1113 = arith.extui %sign3A_1112 : i1 to i32
    %sign3A_1114 = arith.subi %sign3A_1110, %sign3A_1113 : i32
    %ne3A_1115 = arith.cmpi ne, %sign3A_1107, %sign3A_1114 : i32
    %rem3A_1116 = arith.remsi %add3A_1080, %jit3A_1099 : i32
    %ne3A_1117 = arith.constant 0 : i32
    %ne3A_1118 = arith.cmpi ne, %rem3A_1116, %ne3A_1117 : i32
    %and3A_1119 = arith.andi %ne3A_1115, %ne3A_1118 : i1
    %sub3A_1120 = arith.constant 1 : i32
    %sub3A_1121 = arith.subi %div3A_1100, %sub3A_1120 : i32
    %select_n3A_1122 = arith.select %and3A_1119, %sub3A_1121, %div3A_1100 : i32
    %mul3A_1123 = arith.constant 2048 : i32
    %mul3A_1124 = arith.muli %select_n3A_1122, %mul3A_1123 : i32
    %dma_start3A_1125 = tpu.memref_slice %arg3[%mul3A_1098, %mul3A_1124] : memref<64x100000xf32, #tpu.memory_space<hbm>> -> memref<8x2048xf32, #tpu.memory_space<hbm>>
    %dma_start3A_1126 = tpu.memref_slice %arg3[%mul3A_1098, %mul3A_1124] : memref<64x100000xf32, #tpu.memory_space<hbm>> -> memref<8x2048xf32, #tpu.memory_space<hbm>>
    tpu.enqueue_dma source(%arg8 : memref<8x2048xf32, #tpu.memory_space<vmem>>) target(%dma_start3A_1126 : memref<8x2048xf32, #tpu.memory_space<hbm>>) target_semaphore(%arg20 : memref<!tpu.dma_semaphore, #tpu.memory_space<semaphore_mem>>)
    %dma_wait3A_1127 = tpu.memref_slice %arg2[%mul3A_848, %mul3A_874] : memref<64x100000xf32, #tpu.memory_space<hbm>> -> memref<8x2048xf32, #tpu.memory_space<hbm>>
    %dma_wait3A_1128 = tpu.memref_slice %arg2[%mul3A_848, %mul3A_874] : memref<64x100000xf32, #tpu.memory_space<hbm>> -> memref<8x2048xf32, #tpu.memory_space<hbm>>
    tpu.wait_dma2 semaphore(%arg15 : memref<!tpu.dma_semaphore, #tpu.memory_space<semaphore_mem>>) src(%dma_wait3A_1128 : memref<8x2048xf32, #tpu.memory_space<hbm>>) dst(%arg9 : memref<8x2048xf32, #tpu.memory_space<vmem>>)
    %add3A_1129 = arith.constant 352 : i32
    %add3A_1130 = arith.addi %add3A, %add3A_1129 : i32
    %jit3A_1131 = arith.constant 8 : i32
    %eq3A_1132 = arith.constant 0 : i32
    %eq3A_1133 = arith.cmpi eq, %jit3A_1131, %eq3A_1132 : i32
    %jit3A_1134 = arith.constant 1 : i32
    %select_n3A_1135 = arith.select %eq3A_1133, %jit3A_1134, %jit3A_1131 : i32
    %rem3A_1136 = arith.remsi %add3A_1130, %select_n3A_1135 : i32
    %ne3A_1137 = arith.constant 0 : i32
    %ne3A_1138 = arith.cmpi ne, %rem3A_1136, %ne3A_1137 : i32
    %lt3A_1139 = arith.constant 0 : i32
    %lt3A_1140 = arith.cmpi slt, %rem3A_1136, %lt3A_1139 : i32
    %lt3A_1141 = arith.constant 0 : i32
    %lt3A_1142 = arith.cmpi slt, %select_n3A_1135, %lt3A_1141 : i32
    %ne3A_1143 = arith.xori %lt3A_1140, %lt3A_1142 : i1
    %and3A_1144 = arith.andi %ne3A_1143, %ne3A_1138 : i1
    %add3A_1145 = arith.addi %rem3A_1136, %select_n3A_1135 : i32
    %select_n3A_1146 = arith.select %and3A_1144, %add3A_1145, %rem3A_1136 : i32
    %mul3A_1147 = arith.constant 8 : i32
    %mul3A_1148 = arith.muli %select_n3A_1146, %mul3A_1147 : i32
    %jit3A_1149 = arith.constant 8 : i32
    %div3A_1150 = arith.divsi %add3A_1130, %jit3A_1149 : i32
    %sign3A_1151 = arith.constant 0 : i32
    %sign3A_1152 = arith.cmpi sgt, %add3A_1130, %sign3A_1151 : i32
    %sign3A_1153 = arith.extui %sign3A_1152 : i1 to i32
    %sign3A_1154 = arith.constant 0 : i32
    %sign3A_1155 = arith.cmpi slt, %add3A_1130, %sign3A_1154 : i32
    %sign3A_1156 = arith.extui %sign3A_1155 : i1 to i32
    %sign3A_1157 = arith.subi %sign3A_1153, %sign3A_1156 : i32
    %sign3A_1158 = arith.constant 0 : i32
    %sign3A_1159 = arith.cmpi sgt, %jit3A_1149, %sign3A_1158 : i32
    %sign3A_1160 = arith.extui %sign3A_1159 : i1 to i32
    %sign3A_1161 = arith.constant 0 : i32
    %sign3A_1162 = arith.cmpi slt, %jit3A_1149, %sign3A_1161 : i32
    %sign3A_1163 = arith.extui %sign3A_1162 : i1 to i32
    %sign3A_1164 = arith.subi %sign3A_1160, %sign3A_1163 : i32
    %ne3A_1165 = arith.cmpi ne, %sign3A_1157, %sign3A_1164 : i32
    %rem3A_1166 = arith.remsi %add3A_1130, %jit3A_1149 : i32
    %ne3A_1167 = arith.constant 0 : i32
    %ne3A_1168 = arith.cmpi ne, %rem3A_1166, %ne3A_1167 : i32
    %and3A_1169 = arith.andi %ne3A_1165, %ne3A_1168 : i1
    %sub3A_1170 = arith.constant 1 : i32
    %sub3A_1171 = arith.subi %div3A_1150, %sub3A_1170 : i32
    %select_n3A_1172 = arith.select %and3A_1169, %sub3A_1171, %div3A_1150 : i32
    %mul3A_1173 = arith.constant 2048 : i32
    %mul3A_1174 = arith.muli %select_n3A_1172, %mul3A_1173 : i32
    %dma_start3A_1175 = tpu.memref_slice %arg3[%mul3A_1148, %mul3A_1174] : memref<64x100000xf32, #tpu.memory_space<hbm>> -> memref<8x2048xf32, #tpu.memory_space<hbm>>
    %dma_start3A_1176 = tpu.memref_slice %arg3[%mul3A_1148, %mul3A_1174] : memref<64x100000xf32, #tpu.memory_space<hbm>> -> memref<8x2048xf32, #tpu.memory_space<hbm>>
    tpu.enqueue_dma source(%arg9 : memref<8x2048xf32, #tpu.memory_space<vmem>>) target(%dma_start3A_1176 : memref<8x2048xf32, #tpu.memory_space<hbm>>) target_semaphore(%arg21 : memref<!tpu.dma_semaphore, #tpu.memory_space<semaphore_mem>>)
    %jit3A_1177 = arith.constant 8 : i32
    %eq3A_1178 = arith.constant 0 : i32
    %eq3A_1179 = arith.cmpi eq, %jit3A_1177, %eq3A_1178 : i32
    %jit3A_1180 = arith.constant 1 : i32
    %select_n3A_1181 = arith.select %eq3A_1179, %jit3A_1180, %jit3A_1177 : i32
    %rem3A_1182 = arith.remsi %add3A, %select_n3A_1181 : i32
    %ne3A_1183 = arith.constant 0 : i32
    %ne3A_1184 = arith.cmpi ne, %rem3A_1182, %ne3A_1183 : i32
    %lt3A_1185 = arith.constant 0 : i32
    %lt3A_1186 = arith.cmpi slt, %rem3A_1182, %lt3A_1185 : i32
    %lt3A_1187 = arith.constant 0 : i32
    %lt3A_1188 = arith.cmpi slt, %select_n3A_1181, %lt3A_1187 : i32
    %ne3A_1189 = arith.xori %lt3A_1186, %lt3A_1188 : i1
    %and3A_1190 = arith.andi %ne3A_1189, %ne3A_1184 : i1
    %add3A_1191 = arith.addi %rem3A_1182, %select_n3A_1181 : i32
    %select_n3A_1192 = arith.select %and3A_1190, %add3A_1191, %rem3A_1182 : i32
    %mul3A_1193 = arith.constant 8 : i32
    %mul3A_1194 = arith.muli %select_n3A_1192, %mul3A_1193 : i32
    %jit3A_1195 = arith.constant 8 : i32
    %div3A_1196 = arith.divsi %add3A, %jit3A_1195 : i32
    %sign3A_1197 = arith.constant 0 : i32
    %sign3A_1198 = arith.cmpi sgt, %add3A, %sign3A_1197 : i32
    %sign3A_1199 = arith.extui %sign3A_1198 : i1 to i32
    %sign3A_1200 = arith.constant 0 : i32
    %sign3A_1201 = arith.cmpi slt, %add3A, %sign3A_1200 : i32
    %sign3A_1202 = arith.extui %sign3A_1201 : i1 to i32
    %sign3A_1203 = arith.subi %sign3A_1199, %sign3A_1202 : i32
    %sign3A_1204 = arith.constant 0 : i32
    %sign3A_1205 = arith.cmpi sgt, %jit3A_1195, %sign3A_1204 : i32
    %sign3A_1206 = arith.extui %sign3A_1205 : i1 to i32
    %sign3A_1207 = arith.constant 0 : i32
    %sign3A_1208 = arith.cmpi slt, %jit3A_1195, %sign3A_1207 : i32
    %sign3A_1209 = arith.extui %sign3A_1208 : i1 to i32
    %sign3A_1210 = arith.subi %sign3A_1206, %sign3A_1209 : i32
    %ne3A_1211 = arith.cmpi ne, %sign3A_1203, %sign3A_1210 : i32
    %rem3A_1212 = arith.remsi %add3A, %jit3A_1195 : i32
    %ne3A_1213 = arith.constant 0 : i32
    %ne3A_1214 = arith.cmpi ne, %rem3A_1212, %ne3A_1213 : i32
    %and3A_1215 = arith.andi %ne3A_1211, %ne3A_1214 : i1
    %sub3A_1216 = arith.constant 1 : i32
    %sub3A_1217 = arith.subi %div3A_1196, %sub3A_1216 : i32
    %select_n3A_1218 = arith.select %and3A_1215, %sub3A_1217, %div3A_1196 : i32
    %eq3A_1219 = arith.constant 0 : i32
    %eq3A_1220 = arith.cmpi eq, %select_n3A_1218, %eq3A_1219 : i32
    %convert_element_type3A = arith.extui %eq3A_1220 : i1 to i32
    %cond3A = arith.constant 0 : i32
    %cond3A_1221 = arith.cmpi ne, %convert_element_type3A, %cond3A : i32
    scf.if %cond3A_1221 {
      %dma_start3A_1249 = arith.constant 98304 : i32
      %dma_start3A_1250 = tpu.memref_slice %arg2[%mul3A_1194, %dma_start3A_1249] : memref<64x100000xf32, #tpu.memory_space<hbm>> -> memref<8x512xf32, #tpu.memory_space<hbm>>
      %dma_start3A_1251 = arith.constant 98304 : i32
      %dma_start3A_1252 = tpu.memref_slice %arg2[%mul3A_1194, %dma_start3A_1251] : memref<64x100000xf32, #tpu.memory_space<hbm>> -> memref<8x512xf32, #tpu.memory_space<hbm>>
      tpu.enqueue_dma source(%dma_start3A_1252 : memref<8x512xf32, #tpu.memory_space<hbm>>) target(%arg25 : memref<8x512xf32, #tpu.memory_space<vmem>>) target_semaphore(%arg26 : memref<!tpu.dma_semaphore, #tpu.memory_space<semaphore_mem>>)
      %dma_wait3A_1253 = arith.constant 98304 : i32
      %dma_wait3A_1254 = tpu.memref_slice %arg2[%mul3A_1194, %dma_wait3A_1253] : memref<64x100000xf32, #tpu.memory_space<hbm>> -> memref<8x512xf32, #tpu.memory_space<hbm>>
      %dma_wait3A_1255 = arith.constant 98304 : i32
      %dma_wait3A_1256 = tpu.memref_slice %arg2[%mul3A_1194, %dma_wait3A_1255] : memref<64x100000xf32, #tpu.memory_space<hbm>> -> memref<8x512xf32, #tpu.memory_space<hbm>>
      tpu.wait_dma2 semaphore(%arg26 : memref<!tpu.dma_semaphore, #tpu.memory_space<semaphore_mem>>) src(%dma_wait3A_1256 : memref<8x512xf32, #tpu.memory_space<hbm>>) dst(%arg25 : memref<8x512xf32, #tpu.memory_space<vmem>>)
      %dma_start3A_1257 = arith.constant 98304 : i32
      %dma_start3A_1258 = tpu.memref_slice %arg3[%mul3A_1194, %dma_start3A_1257] : memref<64x100000xf32, #tpu.memory_space<hbm>> -> memref<8x512xf32, #tpu.memory_space<hbm>>
      %dma_start3A_1259 = arith.constant 98304 : i32
      %dma_start3A_1260 = tpu.memref_slice %arg3[%mul3A_1194, %dma_start3A_1259] : memref<64x100000xf32, #tpu.memory_space<hbm>> -> memref<8x512xf32, #tpu.memory_space<hbm>>
      tpu.enqueue_dma source(%arg25 : memref<8x512xf32, #tpu.memory_space<vmem>>) target(%dma_start3A_1260 : memref<8x512xf32, #tpu.memory_space<hbm>>) target_semaphore(%arg27 : memref<!tpu.dma_semaphore, #tpu.memory_space<semaphore_mem>>)
      %dma_wait3A_1261 = arith.constant 98304 : i32
      %dma_wait3A_1262 = tpu.memref_slice %arg3[%mul3A_1194, %dma_wait3A_1261] : memref<64x100000xf32, #tpu.memory_space<hbm>> -> memref<8x512xf32, #tpu.memory_space<hbm>>
      %dma_wait3A_1263 = arith.constant 98304 : i32
      %dma_wait3A_1264 = tpu.memref_slice %arg3[%mul3A_1194, %dma_wait3A_1263] : memref<64x100000xf32, #tpu.memory_space<hbm>> -> memref<8x512xf32, #tpu.memory_space<hbm>>
      tpu.wait_dma2 semaphore(%arg27 : memref<!tpu.dma_semaphore, #tpu.memory_space<semaphore_mem>>) src(%arg25 : memref<8x512xf32, #tpu.memory_space<vmem>>) dst(%dma_wait3A_1264 : memref<8x512xf32, #tpu.memory_space<hbm>>)
    } else {
    }
    %eq3A_1222 = arith.constant 1 : i32
    %eq3A_1223 = arith.cmpi eq, %select_n3A_1218, %eq3A_1222 : i32
    %convert_element_type3A_1224 = arith.extui %eq3A_1223 : i1 to i32
    %cond3A_1225 = arith.constant 0 : i32
    %cond3A_1226 = arith.cmpi ne, %convert_element_type3A_1224, %cond3A_1225 : i32
    scf.if %cond3A_1226 {
      %dma_start3A_1249 = arith.constant 98816 : i32
      %dma_start3A_1250 = tpu.memref_slice %arg2[%mul3A_1194, %dma_start3A_1249] : memref<64x100000xf32, #tpu.memory_space<hbm>> -> memref<8x512xf32, #tpu.memory_space<hbm>>
      %dma_start3A_1251 = arith.constant 98816 : i32
      %dma_start3A_1252 = tpu.memref_slice %arg2[%mul3A_1194, %dma_start3A_1251] : memref<64x100000xf32, #tpu.memory_space<hbm>> -> memref<8x512xf32, #tpu.memory_space<hbm>>
      tpu.enqueue_dma source(%dma_start3A_1252 : memref<8x512xf32, #tpu.memory_space<hbm>>) target(%arg25 : memref<8x512xf32, #tpu.memory_space<vmem>>) target_semaphore(%arg26 : memref<!tpu.dma_semaphore, #tpu.memory_space<semaphore_mem>>)
      %dma_wait3A_1253 = arith.constant 98816 : i32
      %dma_wait3A_1254 = tpu.memref_slice %arg2[%mul3A_1194, %dma_wait3A_1253] : memref<64x100000xf32, #tpu.memory_space<hbm>> -> memref<8x512xf32, #tpu.memory_space<hbm>>
      %dma_wait3A_1255 = arith.constant 98816 : i32
      %dma_wait3A_1256 = tpu.memref_slice %arg2[%mul3A_1194, %dma_wait3A_1255] : memref<64x100000xf32, #tpu.memory_space<hbm>> -> memref<8x512xf32, #tpu.memory_space<hbm>>
      tpu.wait_dma2 semaphore(%arg26 : memref<!tpu.dma_semaphore, #tpu.memory_space<semaphore_mem>>) src(%dma_wait3A_1256 : memref<8x512xf32, #tpu.memory_space<hbm>>) dst(%arg25 : memref<8x512xf32, #tpu.memory_space<vmem>>)
      %dma_start3A_1257 = arith.constant 98816 : i32
      %dma_start3A_1258 = tpu.memref_slice %arg3[%mul3A_1194, %dma_start3A_1257] : memref<64x100000xf32, #tpu.memory_space<hbm>> -> memref<8x512xf32, #tpu.memory_space<hbm>>
      %dma_start3A_1259 = arith.constant 98816 : i32
      %dma_start3A_1260 = tpu.memref_slice %arg3[%mul3A_1194, %dma_start3A_1259] : memref<64x100000xf32, #tpu.memory_space<hbm>> -> memref<8x512xf32, #tpu.memory_space<hbm>>
      tpu.enqueue_dma source(%arg25 : memref<8x512xf32, #tpu.memory_space<vmem>>) target(%dma_start3A_1260 : memref<8x512xf32, #tpu.memory_space<hbm>>) target_semaphore(%arg27 : memref<!tpu.dma_semaphore, #tpu.memory_space<semaphore_mem>>)
      %dma_wait3A_1261 = arith.constant 98816 : i32
      %dma_wait3A_1262 = tpu.memref_slice %arg3[%mul3A_1194, %dma_wait3A_1261] : memref<64x100000xf32, #tpu.memory_space<hbm>> -> memref<8x512xf32, #tpu.memory_space<hbm>>
      %dma_wait3A_1263 = arith.constant 98816 : i32
      %dma_wait3A_1264 = tpu.memref_slice %arg3[%mul3A_1194, %dma_wait3A_1263] : memref<64x100000xf32, #tpu.memory_space<hbm>> -> memref<8x512xf32, #tpu.memory_space<hbm>>
      tpu.wait_dma2 semaphore(%arg27 : memref<!tpu.dma_semaphore, #tpu.memory_space<semaphore_mem>>) src(%arg25 : memref<8x512xf32, #tpu.memory_space<vmem>>) dst(%dma_wait3A_1264 : memref<8x512xf32, #tpu.memory_space<hbm>>)
    } else {
    }
    %eq3A_1227 = arith.constant 2 : i32
    %eq3A_1228 = arith.cmpi eq, %select_n3A_1218, %eq3A_1227 : i32
    %convert_element_type3A_1229 = arith.extui %eq3A_1228 : i1 to i32
    %cond3A_1230 = arith.constant 0 : i32
    %cond3A_1231 = arith.cmpi ne, %convert_element_type3A_1229, %cond3A_1230 : i32
    scf.if %cond3A_1231 {
      %dma_start3A_1249 = arith.constant 99328 : i32
      %dma_start3A_1250 = tpu.memref_slice %arg2[%mul3A_1194, %dma_start3A_1249] : memref<64x100000xf32, #tpu.memory_space<hbm>> -> memref<8x512xf32, #tpu.memory_space<hbm>>
      %dma_start3A_1251 = arith.constant 99328 : i32
      %dma_start3A_1252 = tpu.memref_slice %arg2[%mul3A_1194, %dma_start3A_1251] : memref<64x100000xf32, #tpu.memory_space<hbm>> -> memref<8x512xf32, #tpu.memory_space<hbm>>
      tpu.enqueue_dma source(%dma_start3A_1252 : memref<8x512xf32, #tpu.memory_space<hbm>>) target(%arg25 : memref<8x512xf32, #tpu.memory_space<vmem>>) target_semaphore(%arg26 : memref<!tpu.dma_semaphore, #tpu.memory_space<semaphore_mem>>)
      %dma_wait3A_1253 = arith.constant 99328 : i32
      %dma_wait3A_1254 = tpu.memref_slice %arg2[%mul3A_1194, %dma_wait3A_1253] : memref<64x100000xf32, #tpu.memory_space<hbm>> -> memref<8x512xf32, #tpu.memory_space<hbm>>
      %dma_wait3A_1255 = arith.constant 99328 : i32
      %dma_wait3A_1256 = tpu.memref_slice %arg2[%mul3A_1194, %dma_wait3A_1255] : memref<64x100000xf32, #tpu.memory_space<hbm>> -> memref<8x512xf32, #tpu.memory_space<hbm>>
      tpu.wait_dma2 semaphore(%arg26 : memref<!tpu.dma_semaphore, #tpu.memory_space<semaphore_mem>>) src(%dma_wait3A_1256 : memref<8x512xf32, #tpu.memory_space<hbm>>) dst(%arg25 : memref<8x512xf32, #tpu.memory_space<vmem>>)
      %dma_start3A_1257 = arith.constant 99328 : i32
      %dma_start3A_1258 = tpu.memref_slice %arg3[%mul3A_1194, %dma_start3A_1257] : memref<64x100000xf32, #tpu.memory_space<hbm>> -> memref<8x512xf32, #tpu.memory_space<hbm>>
      %dma_start3A_1259 = arith.constant 99328 : i32
      %dma_start3A_1260 = tpu.memref_slice %arg3[%mul3A_1194, %dma_start3A_1259] : memref<64x100000xf32, #tpu.memory_space<hbm>> -> memref<8x512xf32, #tpu.memory_space<hbm>>
      tpu.enqueue_dma source(%arg25 : memref<8x512xf32, #tpu.memory_space<vmem>>) target(%dma_start3A_1260 : memref<8x512xf32, #tpu.memory_space<hbm>>) target_semaphore(%arg27 : memref<!tpu.dma_semaphore, #tpu.memory_space<semaphore_mem>>)
      %dma_wait3A_1261 = arith.constant 99328 : i32
      %dma_wait3A_1262 = tpu.memref_slice %arg3[%mul3A_1194, %dma_wait3A_1261] : memref<64x100000xf32, #tpu.memory_space<hbm>> -> memref<8x512xf32, #tpu.memory_space<hbm>>
      %dma_wait3A_1263 = arith.constant 99328 : i32
      %dma_wait3A_1264 = tpu.memref_slice %arg3[%mul3A_1194, %dma_wait3A_1263] : memref<64x100000xf32, #tpu.memory_space<hbm>> -> memref<8x512xf32, #tpu.memory_space<hbm>>
      tpu.wait_dma2 semaphore(%arg27 : memref<!tpu.dma_semaphore, #tpu.memory_space<semaphore_mem>>) src(%arg25 : memref<8x512xf32, #tpu.memory_space<vmem>>) dst(%dma_wait3A_1264 : memref<8x512xf32, #tpu.memory_space<hbm>>)
    } else {
    }
    %eq3A_1232 = arith.constant 3 : i32
    %eq3A_1233 = arith.cmpi eq, %select_n3A_1218, %eq3A_1232 : i32
    %convert_element_type3A_1234 = arith.extui %eq3A_1233 : i1 to i32
    %cond3A_1235 = arith.constant 0 : i32
    %cond3A_1236 = arith.cmpi ne, %convert_element_type3A_1234, %cond3A_1235 : i32
    scf.if %cond3A_1236 {
      %dma_start3A_1249 = arith.constant 99840 : i32
      %dma_start3A_1250 = tpu.memref_slice %arg2[%mul3A_1194, %dma_start3A_1249] : memref<64x100000xf32, #tpu.memory_space<hbm>> -> memref<8x160xf32, #tpu.memory_space<hbm>>
      %dma_start3A_1251 = arith.constant 99840 : i32
      %dma_start3A_1252 = tpu.memref_slice %arg2[%mul3A_1194, %dma_start3A_1251] : memref<64x100000xf32, #tpu.memory_space<hbm>> -> memref<8x160xf32, #tpu.memory_space<hbm>>
      tpu.enqueue_dma source(%dma_start3A_1252 : memref<8x160xf32, #tpu.memory_space<hbm>>) target(%arg22 : memref<8x160xf32, #tpu.memory_space<vmem>>) target_semaphore(%arg23 : memref<!tpu.dma_semaphore, #tpu.memory_space<semaphore_mem>>)
      %dma_wait3A_1253 = arith.constant 99840 : i32
      %dma_wait3A_1254 = tpu.memref_slice %arg2[%mul3A_1194, %dma_wait3A_1253] : memref<64x100000xf32, #tpu.memory_space<hbm>> -> memref<8x160xf32, #tpu.memory_space<hbm>>
      %dma_wait3A_1255 = arith.constant 99840 : i32
      %dma_wait3A_1256 = tpu.memref_slice %arg2[%mul3A_1194, %dma_wait3A_1255] : memref<64x100000xf32, #tpu.memory_space<hbm>> -> memref<8x160xf32, #tpu.memory_space<hbm>>
      tpu.wait_dma2 semaphore(%arg23 : memref<!tpu.dma_semaphore, #tpu.memory_space<semaphore_mem>>) src(%dma_wait3A_1256 : memref<8x160xf32, #tpu.memory_space<hbm>>) dst(%arg22 : memref<8x160xf32, #tpu.memory_space<vmem>>)
      %dma_start3A_1257 = arith.constant 99840 : i32
      %dma_start3A_1258 = tpu.memref_slice %arg3[%mul3A_1194, %dma_start3A_1257] : memref<64x100000xf32, #tpu.memory_space<hbm>> -> memref<8x160xf32, #tpu.memory_space<hbm>>
      %dma_start3A_1259 = arith.constant 99840 : i32
      %dma_start3A_1260 = tpu.memref_slice %arg3[%mul3A_1194, %dma_start3A_1259] : memref<64x100000xf32, #tpu.memory_space<hbm>> -> memref<8x160xf32, #tpu.memory_space<hbm>>
      tpu.enqueue_dma source(%arg22 : memref<8x160xf32, #tpu.memory_space<vmem>>) target(%dma_start3A_1260 : memref<8x160xf32, #tpu.memory_space<hbm>>) target_semaphore(%arg24 : memref<!tpu.dma_semaphore, #tpu.memory_space<semaphore_mem>>)
      %dma_wait3A_1261 = arith.constant 99840 : i32
      %dma_wait3A_1262 = tpu.memref_slice %arg3[%mul3A_1194, %dma_wait3A_1261] : memref<64x100000xf32, #tpu.memory_space<hbm>> -> memref<8x160xf32, #tpu.memory_space<hbm>>
      %dma_wait3A_1263 = arith.constant 99840 : i32
      %dma_wait3A_1264 = tpu.memref_slice %arg3[%mul3A_1194, %dma_wait3A_1263] : memref<64x100000xf32, #tpu.memory_space<hbm>> -> memref<8x160xf32, #tpu.memory_space<hbm>>
      tpu.wait_dma2 semaphore(%arg24 : memref<!tpu.dma_semaphore, #tpu.memory_space<semaphore_mem>>) src(%arg22 : memref<8x160xf32, #tpu.memory_space<vmem>>) dst(%dma_wait3A_1264 : memref<8x160xf32, #tpu.memory_space<hbm>>)
    } else {
    }
    %dma_wait3A_1237 = tpu.memref_slice %arg3[%mul3A_898, %mul3A_924] : memref<64x100000xf32, #tpu.memory_space<hbm>> -> memref<8x2048xf32, #tpu.memory_space<hbm>>
    %dma_wait3A_1238 = tpu.memref_slice %arg3[%mul3A_898, %mul3A_924] : memref<64x100000xf32, #tpu.memory_space<hbm>> -> memref<8x2048xf32, #tpu.memory_space<hbm>>
    tpu.wait_dma2 semaphore(%arg16 : memref<!tpu.dma_semaphore, #tpu.memory_space<semaphore_mem>>) src(%arg4 : memref<8x2048xf32, #tpu.memory_space<vmem>>) dst(%dma_wait3A_1238 : memref<8x2048xf32, #tpu.memory_space<hbm>>)
    %dma_wait3A_1239 = tpu.memref_slice %arg3[%mul3A_948, %mul3A_974] : memref<64x100000xf32, #tpu.memory_space<hbm>> -> memref<8x2048xf32, #tpu.memory_space<hbm>>
    %dma_wait3A_1240 = tpu.memref_slice %arg3[%mul3A_948, %mul3A_974] : memref<64x100000xf32, #tpu.memory_space<hbm>> -> memref<8x2048xf32, #tpu.memory_space<hbm>>
    tpu.wait_dma2 semaphore(%arg17 : memref<!tpu.dma_semaphore, #tpu.memory_space<semaphore_mem>>) src(%arg5 : memref<8x2048xf32, #tpu.memory_space<vmem>>) dst(%dma_wait3A_1240 : memref<8x2048xf32, #tpu.memory_space<hbm>>)
    %dma_wait3A_1241 = tpu.memref_slice %arg3[%mul3A_998, %mul3A_1024] : memref<64x100000xf32, #tpu.memory_space<hbm>> -> memref<8x2048xf32, #tpu.memory_space<hbm>>
    %dma_wait3A_1242 = tpu.memref_slice %arg3[%mul3A_998, %mul3A_1024] : memref<64x100000xf32, #tpu.memory_space<hbm>> -> memref<8x2048xf32, #tpu.memory_space<hbm>>
    tpu.wait_dma2 semaphore(%arg18 : memref<!tpu.dma_semaphore, #tpu.memory_space<semaphore_mem>>) src(%arg6 : memref<8x2048xf32, #tpu.memory_space<vmem>>) dst(%dma_wait3A_1242 : memref<8x2048xf32, #tpu.memory_space<hbm>>)
    %dma_wait3A_1243 = tpu.memref_slice %arg3[%mul3A_1048, %mul3A_1074] : memref<64x100000xf32, #tpu.memory_space<hbm>> -> memref<8x2048xf32, #tpu.memory_space<hbm>>
    %dma_wait3A_1244 = tpu.memref_slice %arg3[%mul3A_1048, %mul3A_1074] : memref<64x100000xf32, #tpu.memory_space<hbm>> -> memref<8x2048xf32, #tpu.memory_space<hbm>>
    tpu.wait_dma2 semaphore(%arg19 : memref<!tpu.dma_semaphore, #tpu.memory_space<semaphore_mem>>) src(%arg7 : memref<8x2048xf32, #tpu.memory_space<vmem>>) dst(%dma_wait3A_1244 : memref<8x2048xf32, #tpu.memory_space<hbm>>)
    %dma_wait3A_1245 = tpu.memref_slice %arg3[%mul3A_1098, %mul3A_1124] : memref<64x100000xf32, #tpu.memory_space<hbm>> -> memref<8x2048xf32, #tpu.memory_space<hbm>>
    %dma_wait3A_1246 = tpu.memref_slice %arg3[%mul3A_1098, %mul3A_1124] : memref<64x100000xf32, #tpu.memory_space<hbm>> -> memref<8x2048xf32, #tpu.memory_space<hbm>>
    tpu.wait_dma2 semaphore(%arg20 : memref<!tpu.dma_semaphore, #tpu.memory_space<semaphore_mem>>) src(%arg8 : memref<8x2048xf32, #tpu.memory_space<vmem>>) dst(%dma_wait3A_1246 : memref<8x2048xf32, #tpu.memory_space<hbm>>)
    %dma_wait3A_1247 = tpu.memref_slice %arg3[%mul3A_1148, %mul3A_1174] : memref<64x100000xf32, #tpu.memory_space<hbm>> -> memref<8x2048xf32, #tpu.memory_space<hbm>>
    %dma_wait3A_1248 = tpu.memref_slice %arg3[%mul3A_1148, %mul3A_1174] : memref<64x100000xf32, #tpu.memory_space<hbm>> -> memref<8x2048xf32, #tpu.memory_space<hbm>>
    tpu.wait_dma2 semaphore(%arg21 : memref<!tpu.dma_semaphore, #tpu.memory_space<semaphore_mem>>) src(%arg9 : memref<8x2048xf32, #tpu.memory_space<vmem>>) dst(%dma_wait3A_1248 : memref<8x2048xf32, #tpu.memory_space<hbm>>)
    return
  }
}

</mosaic_0001>

<sc_bundles>
// kernel: _copy_cols.3.cloned.1.call-start
scs
__scs_entry_jumppad:
0x0: {  	(pc) =	sbr.rel $0x88, $3  }
0x1: {  	(tag) =	ssettag $0x0;
	lr =	simm.s32 $0x1  }
0x2: {  	[smem:$0x3FA0] =	sst lr;
	_ =	strace $0xD0000000  }
0x3: {  	_ = 	snop  }
0x4: {  	_ = 	snop  }
0x5: {  	_ = 	snop  }
0x6: {  	_ = 	snop  }
0x7: {  	_ = 	snop  }
__scs_overlays_trampoline_lowered:
0x8: {  	[smem:$0x3FAF] =	sst s0  }
0x9: {  	[smem:$0x3FB0] =	sst s1  }
0xa: {  	[smem:$0x3FB1] =	sst s2  }
0xb: {  	[smem:$0x3FB2] =	sst s3  }
0xc: {  	[smem:$0x3FB3] =	sst s4  }
0xd: {  	[smem:$0x3FB4] =	sst s5  }
0xe: {  	[smem:$0x3FB5] =	sst s6  }
0xf: {  	[smem:$0x3FB6] =	sst s7  }
0x10: {  	[smem:$0x3FB7] =	sst s8  }
0x11: {  	[smem:$0x3FB8] =	sst s9;
	s0 =	simm.s32 @!p0 $0x0  }
0x12: {  	s1 =	sld [smem:$0x3F9E];
	s0 =	simm.s32 @p0 $0x1  }
0x13: {  	[smem:$0x3FB9] =	sst s0;
	s0 =	simm.s32 @!p1 $0x0  }
0x14: {  	s2 =	sld [smem:$0x3F9D];
	s0 =	simm.s32 @p1 $0x1  }
0x15: {  	[smem:$0x3FBA] =	sst s0;
	s0 =	simm.s32 @!p2 $0x0  }
0x16: {  	s3 =	sld [smem:$0x3FDB];
	s0 =	simm.s32 @p2 $0x1  }
0x17: {  	s4 =	simm.s32 $0x1BF5;
	[smem:$0x3FBC] =	sst s0  }
0x18: {  	s0 =	sld [smem:$0x3F9F];
	_ =	swait.ge [sflag:s4], $0x0  }
0x19: {  	s7 =	sld [smem:$0x3FA0]  }
0x1a: {  	s8 =	sadd.s32 $0xFFFFE003, lr  }
0x1b: {  	s9 =	sadd.s32 $0xFFFFFEF7, lr;
	s5 =	simm.s32 $0xFFFFFFFF;
	p2 =	slt.u32 s8, $0xFFFFF086  }
0x1c: {  	p1 =	slt.u32 s9, $0xF7A;
	s5 =	simm.s32 @!p2 $0x0  }
0x1d: {  	s5 =	simm.s32 @p1 $0x1;
	p0 =	seq.s32 s7, s2  }
0x1e: {  	s7 =	smul.u32 @!p0 $0xF7A, s2;
	p2 =	seq.s32 @!p0 s5, $0x0  }
0x1f: {  	s9 =	smul.u32 $0xF7A, s1;
	s8 =	simm.s32 @!p0 $0x1BF5;
	p2 =	por !p2, p0  }
0x20: {  	[sflag:s8] =	ssyncset.s32 @!p0 $0xFFFFF086;
	s6 =	sadd.s32 @!p0 s3, s7;
	s7 =	simm.s32 @!p0 $0x108  }
0x21: {  	s3 =	sadd.s32 s3, s9;
	s6 =	sadd.s32 @!p0 $0x88, s6;
	s7 =	simm.s32 @p2 $0x1082  }
0x22: {  	[simem:s7], [sflag:s8] =	dma.local @!p0 [hbm:s6], $0xF7A  }
0x23: {  	s9 =	sor.u32 $0xD0000000, s2;
	s6 =	simm.s32 $0x108;
	_ =	swait.ge @!p0 [sflag:s8], $0x0  }
0x24: {  	s3 =	sadd.s32 $0x88, s3;
	s6 =	simm.s32 @!p1 $0x1082;
	[sflag:s4] =	ssyncset.s32 $0xFFFFF086  }
0x25: {  	[simem:s6], [sflag:s4] =	dma.local [hbm:s3], $0xF7A  }
0x26: {  	[smem:$0x3FA0] =	sst s1;
	(tag) =	ssettag s2;
	_ =	strace s9  }
0x27: {  	s1 =	sld [smem:$0x3FB0]  }
0x28: {  	s2 =	sld [smem:$0x3FB1]  }
0x29: {  	s4 =	sld [smem:$0x3FB3]  }
0x2a: {  	p0 =	seq.s32 s5, $0x0;
	s5 =	sld [smem:$0x3FB4]  }
0x2b: {  	s6 =	sld [smem:$0x3FB5]  }
0x2c: {  	s7 =	sld [smem:$0x3FB6]  }
0x2d: {  	s3 =	simm.s32 $0x108;
	s8 =	sld [smem:$0x3FB7]  }
0x2e: {  	s3 =	simm.s32 @!p0 $0x1082;
	s9 =	sld [smem:$0x3FB8]  }
0x2f: {  	lr =	sadd.s32 s0, s3;
	s0 =	sld [smem:$0x3FAF]  }
0x30: {  	s3 =	sld [smem:$0x3FB2]  }
0x31: {  	[smem:$0x3FBB] =	sst s10  }
0x32: {  	s10 =	sld [smem:$0x3FB9];
	_ =	sdelay $0x3  }
0x33: {  	p0 =	seq.s32 s10, $0x1;
	s10 =	sld [smem:$0x3FBB];
	_ =	sdelay $0x3  }
0x34: {  	[smem:$0x3FBB] =	sst s10  }
0x35: {  	s10 =	sld [smem:$0x3FBA];
	_ =	sdelay $0x3  }
0x36: {  	p1 =	seq.s32 s10, $0x1;
	s10 =	sld [smem:$0x3FBB];
	_ =	sdelay $0x3  }
0x37: {  	[smem:$0x3FBB] =	sst s10  }
0x38: {  	s10 =	sld [smem:$0x3FBC]  }
0x39: {  	_ = 	snop;
	(pc) =	sbr.ind lr, $3  }
0x3a: {  	_ = 	snop  }
0x3b: {  	_ = 	snop  }
0x3c: {  	p2 =	seq.s32 s10, $0x1;
	s10 =	sld [smem:$0x3FBB]  }
0x3d: {  	_ =	shalt  }
0x3e: {  	_ =	shalt  }
0x3f: {  	_ =	shalt  }
0x40: {  	_ =	shalt  }
0x41: {  	_ =	shalt  }
0x42: {  	_ =	shalt  }
0x43: {  	_ =	shalt  }
0x44: {  	_ =	shalt  }
0x45: {  	_ =	shalt  }
0x46: {  	_ =	shalt  }
0x47: {  	_ =	shalt  }
0x48: {  	_ =	shalt  }
0x49: {  	_ =	shalt  }
0x4a: {  	_ =	shalt  }
0x4b: {  	_ =	shalt  }
0x4c: {  	_ =	shalt  }
0x4d: {  	_ =	shalt  }
0x4e: {  	_ =	shalt  }
0x4f: {  	_ =	shalt  }
0x50: {  	_ =	shalt  }
0x51: {  	_ =	shalt  }
0x52: {  	_ =	shalt  }
0x53: {  	_ =	shalt  }
0x54: {  	_ =	shalt  }
0x55: {  	_ =	shalt  }
0x56: {  	_ =	shalt  }
0x57: {  	_ =	shalt  }
0x58: {  	_ =	shalt  }
0x59: {  	_ =	shalt  }
0x5a: {  	_ =	shalt  }
0x5b: {  	_ =	shalt  }
0x5c: {  	_ =	shalt  }
0x5d: {  	_ =	shalt  }
0x5e: {  	_ =	shalt  }
0x5f: {  	_ =	shalt  }
0x60: {  	_ =	shalt  }
0x61: {  	_ =	shalt  }
0x62: {  	_ =	shalt  }
0x63: {  	_ =	shalt  }
0x64: {  	_ =	shalt  }
0x65: {  	_ =	shalt  }
0x66: {  	_ =	shalt  }
0x67: {  	_ =	shalt  }
0x68: {  	_ =	shalt  }
0x69: {  	_ =	shalt  }
0x6a: {  	_ =	shalt  }
0x6b: {  	_ =	shalt  }
0x6c: {  	_ =	shalt  }
0x6d: {  	_ =	shalt  }
0x6e: {  	_ =	shalt  }
0x6f: {  	_ =	shalt  }
0x70: {  	_ =	shalt  }
0x71: {  	_ =	shalt  }
0x72: {  	_ =	shalt  }
0x73: {  	_ =	shalt  }
0x74: {  	_ =	shalt  }
0x75: {  	_ =	shalt  }
0x76: {  	_ =	shalt  }
0x77: {  	_ =	shalt  }
0x78: {  	_ =	shalt  }
0x79: {  	_ =	shalt  }
0x7a: {  	_ =	shalt  }
0x7b: {  	_ =	shalt  }
0x7c: {  	_ =	shalt  }
0x7d: {  	_ =	shalt  }
0x7e: {  	_ =	shalt  }
0x7f: {  	_ =	shalt  }
0x80: {  	_ =	shalt  }
0x81: {  	_ =	shalt  }
0x82: {  	_ =	shalt  }
0x83: {  	_ =	shalt  }
0x84: {  	_ =	shalt  }
0x85: {  	_ =	shalt  }
0x86: {  	_ =	shalt  }
0x87: {  	_ =	shalt  }
.Lfunc_end0:
.L_simem_size_0:
called_computation_lowered:
.L_overlay_start_0:
0x88: {  	s2 =	sld [smem:$0x3FD9]  }
0x89: {  	s3 =	sld [smem:$0x3FFE];
	_ =	sdelay $0x1  }
0x8a: {  	s1 =	srdreg.scid  }
0x8b: {  	s0 =	sand.u32 $0x1, s1  }
0x8c: {  	s18 =	sshll.u32 s0, $0xA;
	s2 =	sadd.s32 s3, s2  }
0x8d: {  	s2 =	sadd.s32 s2, s18  }
0x8e: {  	[smem:$0x3FC7] =	sst s2  }
0x8f: {  	_ = 	snop  }
0x90: {  	s2 =	sld [smem:$0x3FC9]  }
0x91: {  	s19 =	sld [smem:$0x3FD0];
	(tm) =	ssettm $0x1  }
0x92: {  	s4 =	sld [smem:$0x3FFB];
	_ =	sdelay $0x3  }
0x93: {  	_ =	strace s4  }
0x94: {  	s4 =	sld [smem:$0x3FFC];
	_ =	sdelay $0x3  }
0x95: {  	_ =	strace s4  }
0x96: {  	s4 =	sld [smem:$0x3FFD];
	_ =	sdelay $0x3  }
0x97: {  	_ =	strace s4  }
0x98: {  	_ =	strace $0x8FFFFFFF  }
0x99: {  	s20 =	sld [smem:$0x3FDB];
	_ =	sdelay $0x1  }
0x9a: {  	s5 =	simm.s32 $_scs_section_size  }
0x9b: {  	s6 =	simm.s32 $_size__tile_overlayer_lowered;
	s7 =	simm.s32 $_tile_overlayer_lowered  }
0x9c: {  	s23 =	simm.s32 $0x1BFF;
	s22 =	sshll.u32 s7, $0x1;
	s4 =	sadd.s32 s5, s20  }
0x9d: {  	s8 =	simm.s32 $0x0;
	s21 =	sshll.u32 s6, $0x1;
	s6 =	sadd.s32 s22, s4  }
0x9e: {  	[timem:s8], [sflag:s23] =	dma.local [hbm:s6], s21  }
0x9f: {  	_ =	swait.ge [sflag:s23], s21  }
0xa0: {  	s5 =	ssub.s32 $0x0, s21;
	[sflag:s23] =	ssyncset.done $0x0  }
0xa1: {  	[sflag:s23] =	ssyncadd.s32 s5;
	_ =	sdelay $0x1  }
0xa2: {  	s24 =	simm.s32 $0x1B8B  }
0xa3: {  	_ =	swait.ge [sflag:s24], $0x1  }
0xa4: {  	[sflag:s24] =	ssyncset.done $0x0  }
0xa5: {  	s25 =	simm.s32 $0x1B8E;
	[sflag:s24] =	ssyncadd.s32 $0xFFFFFFFF  }
0xa6: {  	s26 =	simm.s32 $execute0_lowered;
	[smem:$0x3FD2] =	sst s25  }
0xa7: {  	s5 =	sshll.u32 s26, $0x1;
	_ =	strace $0x80000046;
	[dreg:$0x1] =	wrdreg $0xFFFFFFFF  }
0xa8: {  	s28 =	simm.s32 $_size_execute0_lowered;
	s4 =	sadd.s32 s4, s5;
	[dreg:$0x0] =	wrdreg $0x0  }
0xa9: {  	s5 =	sshll.u32 s28, $0x1;
	[dreg:$0x2] =	wrdreg s4  }
0xaa: {  	[dreg:$0x3] =	wrdreg s5  }
0xab: {  	[dreg:$0x4] =	wrdreg $0xC0  }
0xac: {  	_ =	task [dreg:s8], $0x5FFFF  }
0xad: {  	[dreg:$0x1] =	wrdreg $0xFFFFFFFF  }
0xae: {  	[dreg:$0x0] =	wrdreg $0x60  }
0xaf: {  	[dreg:$0x2] =	wrdreg s2  }
0xb0: {  	[dreg:$0x3] =	wrdreg s19  }
0xb1: {  	[dreg:$0x4] =	wrdreg $0x9  }
0xb2: {  	_ =	task.clear_ibuf [dreg:s8], $0x5FFFF;
	_ =	strace $0x90000046  }
0xb3: {  	s29 =	simm.s32 $0x9;
	_ =	strace $0x80000048  }
0xb4: {  	_ =	swait.ge [sflag:s29], $0x1  }
0xb5: {  	[sflag:s29] =	ssyncadd.s32 $0xFFFFFFFF  }
0xb6: {  	_ =	strace $0x90000048  }
0xb7: {  	_ =	sfence  }
0xb8: {  	s30 =	sld [smem:$0x0];
	_ =	sdelay $0x2  }
0xb9: {  	s31 =	sshll.u32 s1, $0xD;
	s1 =	sshrl.u32 s1, $0x2  }
0xba: {  	s3 =	sand.u32 $0x4000, s31;
	s1 =	sadd.s32 s1, s30  }
0xbb: {  	s0 =	sor.u32 s3, s0;
	s1 =	sshll.u32 s1, $0x11  }
0xbc: {  	s0 =	sor.u32 s1, s0  }
0xbd: {  	s0 =	sadd.s32 $0x8F2B, s0  }
0xbe: {  	[sflag:s0] =	ssyncadd.remote.s32 $0x1  }
0xbf: {  	_ =	sfence.sel $0xFFFF  }
0xc0: {  	[dreg:$0x0] =	wrdreg $0xFFFFFFFF;
	(pc) =	sbr.abs _section_cstart, $3  }
0xc1: {  	[dreg:$0x1] =	wrdreg $0xFFFFFFFF  }
0xc2: {  	_ =	task.clear_ibuf [dreg:s8], $0x2FFFF;
	_ =	strace $0x9FFFFFFF  }
0xc3: {  	(tm) =	ssettm $0x7FFFFFFF  }
tec
execute0_lowered:
.L_overlay_start_1:
0x0: {  	(tag) =	ssettag $0x1  }
0x1: {  	s2 =	rddreg [dreg:$0x0]  }
0x2: {  	s6 =	stileid.u32;
	s3 =	rddreg [dreg:$0x1]  }
0x3: {  	s0 =	srdreg.scid;
	s1 =	simm.s32 $0x0;
	s4 =	sshll.u32 s6, $0x1  }
0x4: {  	s0 =	sand.u32 $0x1, s0;
	[smem:$0x7FF] =	sst s1;
	s4 =	sand.u32 $0x6, s4  }
0x5: {  	s5 =	ssub.s32 $0x2, s0;
	s0 =	sor.u32 s0, s4;
	s4 =	sshrl.u32 s6, $0x2  }
0x6: {  	s6 =	sshll.u32 s6, $0xC;
	s7 =	sshrl.u32 s5, $0x1;
	s0 =	smul.u32 $0xC3800, s0  }
0x7: {  	s8 =	sshll.u32 s4, $0xE;
	s6 =	sand.u32 $0xC000, s6;
	p3 =	sgt.s32 s4, $0x1  }
0x8: {  	s5 =	ssub.s32 s5, s7;
	p1 =	seq.s32 @p3 s4, $0x2;
	p4 =	seq.s32 @!p3 s4, $0x0  }
0x9: {  	s4 =	smax.u32 s5, $0x1;
	s5 =	simm.s32 $0x4000;
	s12 =	sadd.s32 s8, s0  }
0xa: {  	s6 =	sadd.s32 s6, s0;
	s0 =	sshrl.u32 s0, $0x3;
	p0 =	por !p1, !p3  }
0xb: {  	p1 =	por p1, !p3;
	p2 =	por !p4, p3;
	p3 =	por p4, p3  }
0xc: {  	s7 =	sshrl.u32 s12, $0x3;
	s13 =	sadd.s32 $0x10000, s6;
	s9 =	sadd.s32 $0x20000, s6  }
0xd: {  	s16 =	sadd.s32 $0x30000, s6;
	s11 =	sadd.s32 $0x40000, s6;
	s12 =	sadd.s32 $0x50000, s6  }
0xe: {  	s19 =	sadd.s32 $0x60000, s6;
	s21 =	sadd.s32 $0x70000, s6;
	s23 =	sadd.s32 $0x80000, s6  }
0xf: {  	s24 =	sadd.s32 $0x90000, s6;
	s26 =	sadd.s32 $0xA0000, s6;
	s6 =	sadd.s32 $0xB0000, s6  }
0x10: {  	s10 =	sadd.s32 s2, s7;
	s8 =	sshrl.u32 s13, $0x3;
	s9 =	sshrl.u32 s9, $0x3  }
0x11: {  	s11 =	sshrl.u32 s11, $0x3;
	s12 =	sshrl.u32 s12, $0x3;
	s7 =	sadd.s32 s3, s7  }
0x12: {  	s20 =	sshrl.u32 s19, $0x3;
	s22 =	sshrl.u32 s21, $0x3;
	[dreg:$0x3] =	wrdreg s10  }
0x13: {  	s25 =	sshrl.u32 s24, $0x3;
	s14 =	sadd.s32 s2, s8;
	[dreg:$0x9] =	wrdreg s7  }
0x14: {  	s6 =	sshrl.u32 s6, $0x3;
	s15 =	sadd.s32 s2, s9;
	[dreg:$0x4] =	wrdreg s14  }
0x15: {  	s21 =	sadd.s32 $0x18600, s0;
	s17 =	sadd.s32 s2, s11;
	[dreg:$0x5] =	wrdreg s15  }
0x16: {  	s24 =	sadd.s32 $0x18000, s0;
	s18 =	sadd.s32 s2, s12;
	[dreg:$0x7] =	wrdreg s17  }
0x17: {  	s10 =	sshrl.u32 s16, $0x3;
	s8 =	sadd.s32 s3, s8;
	[dreg:$0x8] =	wrdreg s18  }
0x18: {  	s9 =	sadd.s32 s3, s9;
	s11 =	sadd.s32 s3, s11;
	[dreg:$0xb] =	wrdreg s8  }
0x19: {  	s12 =	sadd.s32 s3, s12;
	s7 =	sadd.s32 s3, s20;
	[dreg:$0xc] =	wrdreg s9  }
0x1a: {  	s16 =	sadd.s32 s2, s25;
	s28 =	sadd.s32 s3, s21;
	[dreg:$0xe] =	wrdreg s11  }
0x1b: {  	s13 =	sadd.s32 s2, s10;
	s14 =	sadd.s32 s2, s20;
	[dreg:$0xf] =	wrdreg s12  }
0x1c: {  	s9 =	sshrl.u32 s23, $0x3;
	s10 =	sadd.s32 s3, s10;
	[dreg:$0x10] =	wrdreg s7  }
0x1d: {  	s11 =	sshrl.u32 s26, $0x3;
	s12 =	sadd.s32 s2, s22;
	[dreg:$0x15] =	wrdreg s16  }
0x1e: {  	s17 =	sadd.s32 s3, s25;
	s20 =	sadd.s32 s2, s6;
	s25 =	sadd.s32 s3, s6  }
0x1f: {  	s26 =	sadd.s32 s2, s21;
	s23 =	sadd.s32 $0x18200, s0;
	[dreg:$0x6] =	wrdreg s13  }
0x20: {  	s6 =	simm.s32 $0x8000;
	s7 =	simm.s32 $0xC000;
	[dreg:$0xa] =	wrdreg s14  }
0x21: {  	s8 =	simm.s32 $0x10000;
	s16 =	simm.s32 $0x4;
	[dreg:$0xd] =	wrdreg s10  }
0x22: {  	s21 =	simm.s32 $0xC;
	[dreg:$0x11] =	wrdreg s12;
	s13 =	sadd.s32 s3, s22  }
0x23: {  	s14 =	sadd.s32 s2, s9;
	s15 =	sadd.s32 s3, s9;
	[dreg:$0x16] =	wrdreg s17  }
0x24: {  	s18 =	sadd.s32 s2, s11;
	s19 =	sadd.s32 s3, s11;
	[dreg:$0x19] =	wrdreg s20  }
0x25: {  	s22 =	sadd.s32 $0x18400, s0;
	s31 =	sadd.s32 s2, s23;
	[dreg:$0x12] =	wrdreg s13  }
0x26: {  	s0 =	sadd.s32 s3, s23;
	s9 =	simm.s32 $0x14000;
	[dreg:$0x13] =	wrdreg s14  }
0x27: {  	s10 =	simm.s32 $0x1;
	s11 =	simm.s32 $0x7;
	[dreg:$0x14] =	wrdreg s15  }
0x28: {  	s12 =	simm.s32 $0x2;
	s17 =	simm.s32 $0xA;
	[dreg:$0x17] =	wrdreg s18  }
0x29: {  	s20 =	simm.s32 $0x6;
	[dreg:$0x18] =	wrdreg s19;
	s29 =	sadd.s32 s2, s22  }
0x2a: {  	s30 =	sadd.s32 s3, s22;
	s2 =	sadd.s32 s2, s24;
	s3 =	sadd.s32 s3, s24  }
0x2b: {  	s13 =	simm.s32 $0x8;
	s14 =	simm.s32 $0x3;
	s15 =	simm.s32 $0x9  }
0x2c: {  	s18 =	simm.s32 $0x5;
	s19 =	simm.s32 $0xB;
	_ =	strace $0x80000047  }
.LBB2_1:
0x2d: {  	s22 =	rddreg [dreg:$0x3]  }
0x2e: {  	[tilespmem:s1], [sflag:$0x1] =	stream.linear.gather [hbm4b:s22+s1], $0x4000, $0x38;
	[tilespmem:$0x19800] =	vst v63  }
0x2f: {  	s23 =	rddreg [dreg:$0x4]  }
0x30: {  	[tilespmem:s5], [sflag:$0x2] =	stream.linear.gather [hbm4b:s23+s1], $0x4000, $0x38;
	[tilespmem:$0x19800] =	vst v63  }
0x31: {  	s24 =	rddreg [dreg:$0x5]  }
0x32: {  	[tilespmem:s6], [sflag:$0x3] =	stream.linear.gather [hbm4b:s24+s1], $0x4000, $0x38;
	[tilespmem:$0x19800] =	vst v63  }
0x33: {  	s23 =	rddreg [dreg:$0x6]  }
0x34: {  	[tilespmem:s7], [sflag:$0x4] =	stream.linear.gather [hbm4b:s23+s1], $0x4000, $0x38;
	[tilespmem:$0x19800] =	vst v63  }
0x35: {  	s24 =	rddreg [dreg:$0x7]  }
0x36: {  	[tilespmem:s8], [sflag:$0x5] =	stream.linear.gather [hbm4b:s24+s1], $0x4000, $0x38;
	[tilespmem:$0x19800] =	vst v63  }
0x37: {  	s23 =	rddreg [dreg:$0x8]  }
0x38: {  	[tilespmem:s9], [sflag:$0x6] =	stream.linear.gather [hbm4b:s23+s1], $0x4000, $0x38;
	[tilespmem:$0x19800] =	vst v63  }
0x39: {  	_ =	swait.ge [sflag:s10], $0x4000  }
0x3a: {  	[sflag:s10] =	ssyncset.done $0x0  }
0x3b: {  	s24 =	rddreg [dreg:$0x9];
	[sflag:s10] =	ssyncadd.s32 $0xFFFFC000  }
0x3c: {  	[hbm4b:s24+s1] =	stream.linear.scatter [tilespmem:s1], [sflag:$0x7], $0x4000, $0x38;
	[tilespmem:$0x19800] =	vst v63  }
0x3d: {  	_ =	swait.ge [sflag:s11], $0x4000  }
0x3e: {  	[sflag:s11] =	ssyncset.done $0x0  }
0x3f: {  	s23 =	rddreg [dreg:$0xa];
	[sflag:s11] =	ssyncadd.s32 $0xFFFFC000  }
0x40: {  	[tilespmem:s1], [sflag:$0x1] =	stream.linear.gather [hbm4b:s23+s1], $0x4000, $0x38;
	[tilespmem:$0x19800] =	vst v63  }
0x41: {  	_ =	swait.ge [sflag:s12], $0x4000  }
0x42: {  	[sflag:s12] =	ssyncset.done $0x0  }
0x43: {  	s24 =	rddreg [dreg:$0xb];
	[sflag:s12] =	ssyncadd.s32 $0xFFFFC000  }
0x44: {  	[hbm4b:s24+s1] =	stream.linear.scatter [tilespmem:s5], [sflag:$0x8], $0x4000, $0x38;
	[tilespmem:$0x19800] =	vst v63  }
0x45: {  	_ =	swait.ge [sflag:s13], $0x4000  }
0x46: {  	[sflag:s13] =	ssyncset.done $0x0  }
0x47: {  	s23 =	rddreg [dreg:$0x11];
	[sflag:s13] =	ssyncadd.s32 $0xFFFFC000  }
0x48: {  	[tilespmem:s5], [sflag:$0x2] =	stream.linear.gather [hbm4b:s23+s1], $0x4000, $0x38;
	[tilespmem:$0x19800] =	vst v63  }
0x49: {  	_ =	swait.ge [sflag:s14], $0x4000  }
0x4a: {  	[sflag:s14] =	ssyncset.done $0x0  }
0x4b: {  	s24 =	rddreg [dreg:$0xc];
	[sflag:s14] =	ssyncadd.s32 $0xFFFFC000  }
0x4c: {  	[hbm4b:s24+s1] =	stream.linear.scatter [tilespmem:s6], [sflag:$0x9], $0x4000, $0x38;
	[tilespmem:$0x19800] =	vst v63  }
0x4d: {  	_ =	swait.ge [sflag:s15], $0x4000  }
0x4e: {  	[sflag:s15] =	ssyncset.done $0x0  }
0x4f: {  	s23 =	rddreg [dreg:$0x13];
	[sflag:s15] =	ssyncadd.s32 $0xFFFFC000  }
0x50: {  	[tilespmem:s6], [sflag:$0x3] =	stream.linear.gather [hbm4b:s23+s1], $0x4000, $0x38;
	[tilespmem:$0x19800] =	vst v63  }
0x51: {  	_ =	swait.ge [sflag:s16], $0x4000  }
0x52: {  	[sflag:s16] =	ssyncset.done $0x0  }
0x53: {  	s24 =	rddreg [dreg:$0xd];
	[sflag:s16] =	ssyncadd.s32 $0xFFFFC000  }
0x54: {  	[hbm4b:s24+s1] =	stream.linear.scatter [tilespmem:s7], [sflag:$0xA], $0x4000, $0x38;
	[tilespmem:$0x19800] =	vst v63  }
0x55: {  	_ =	swait.ge [sflag:s17], $0x4000  }
0x56: {  	[sflag:s17] =	ssyncset.done $0x0  }
0x57: {  	s23 =	rddreg [dreg:$0x15];
	[sflag:s17] =	ssyncadd.s32 $0xFFFFC000  }
0x58: {  	[tilespmem:s7], [sflag:$0x4] =	stream.linear.gather [hbm4b:s23+s1], $0x4000, $0x38;
	[tilespmem:$0x19800] =	vst v63  }
0x59: {  	_ =	swait.ge [sflag:s18], $0x4000  }
0x5a: {  	[sflag:s18] =	ssyncset.done $0x0  }
0x5b: {  	s24 =	rddreg [dreg:$0xe];
	[sflag:s18] =	ssyncadd.s32 $0xFFFFC000  }
0x5c: {  	[hbm4b:s24+s1] =	stream.linear.scatter [tilespmem:s8], [sflag:$0xB], $0x4000, $0x38;
	[tilespmem:$0x19800] =	vst v63  }
0x5d: {  	_ =	swait.ge [sflag:s19], $0x4000  }
0x5e: {  	[sflag:s19] =	ssyncset.done $0x0  }
0x5f: {  	s23 =	rddreg [dreg:$0x17];
	[sflag:s19] =	ssyncadd.s32 $0xFFFFC000  }
0x60: {  	[tilespmem:s8], [sflag:$0x5] =	stream.linear.gather [hbm4b:s23+s1], $0x4000, $0x38;
	[tilespmem:$0x19800] =	vst v63  }
0x61: {  	_ =	swait.ge [sflag:s20], $0x4000  }
0x62: {  	[sflag:s20] =	ssyncset.done $0x0  }
0x63: {  	s24 =	rddreg [dreg:$0xf];
	[sflag:s20] =	ssyncadd.s32 $0xFFFFC000  }
0x64: {  	[hbm4b:s24+s1] =	stream.linear.scatter [tilespmem:s9], [sflag:$0xC], $0x4000, $0x38;
	[tilespmem:$0x19800] =	vst v63  }
0x65: {  	_ =	swait.ge [sflag:s21], $0x4000  }
0x66: {  	[sflag:s21] =	ssyncset.done $0x0  }
0x67: {  	s23 =	rddreg [dreg:$0x19];
	[sflag:s21] =	ssyncadd.s32 $0xFFFFC000  }
0x68: {  	[tilespmem:s9], [sflag:$0x6] =	stream.linear.gather [hbm4b:s23+s1], $0x4000, $0x38;
	[tilespmem:$0x19800] =	vst v63  }
0x69: {  	_ =	swait.ge [sflag:s10], $0x4000  }
0x6a: {  	[sflag:s10] =	ssyncset.done $0x0  }
0x6b: {  	s24 =	rddreg [dreg:$0x10];
	[sflag:s10] =	ssyncadd.s32 $0xFFFFC000  }
0x6c: {  	[hbm4b:s24+s1] =	stream.linear.scatter [tilespmem:s1], [sflag:$0x7], $0x4000, $0x38;
	[tilespmem:$0x19800] =	vst v63  }
0x6d: {  	_ =	swait.ge [sflag:s12], $0x4000  }
0x6e: {  	[sflag:s12] =	ssyncset.done $0x0  }
0x6f: {  	s23 =	rddreg [dreg:$0x12];
	[sflag:s12] =	ssyncadd.s32 $0xFFFFC000  }
0x70: {  	[hbm4b:s23+s1] =	stream.linear.scatter [tilespmem:s5], [sflag:$0x8], $0x4000, $0x38;
	[tilespmem:$0x19800] =	vst v63  }
0x71: {  	_ =	swait.ge [sflag:s14], $0x4000  }
0x72: {  	[sflag:s14] =	ssyncset.done $0x0  }
0x73: {  	s24 =	rddreg [dreg:$0x14];
	[sflag:s14] =	ssyncadd.s32 $0xFFFFC000  }
0x74: {  	[hbm4b:s24+s1] =	stream.linear.scatter [tilespmem:s6], [sflag:$0x9], $0x4000, $0x38;
	[tilespmem:$0x19800] =	vst v63  }
0x75: {  	_ =	swait.ge [sflag:s16], $0x4000  }
0x76: {  	[sflag:s16] =	ssyncset.done $0x0  }
0x77: {  	s23 =	rddreg [dreg:$0x16];
	[sflag:s16] =	ssyncadd.s32 $0xFFFFC000  }
0x78: {  	[hbm4b:s23+s1] =	stream.linear.scatter [tilespmem:s7], [sflag:$0xA], $0x4000, $0x38;
	[tilespmem:$0x19800] =	vst v63  }
0x79: {  	_ =	swait.ge [sflag:s18], $0x4000  }
0x7a: {  	[sflag:s18] =	ssyncset.done $0x0  }
0x7b: {  	s24 =	rddreg [dreg:$0x18];
	[sflag:s18] =	ssyncadd.s32 $0xFFFFC000  }
0x7c: {  	[hbm4b:s24+s1] =	stream.linear.scatter [tilespmem:s8], [sflag:$0xB], $0x4000, $0x38;
	[tilespmem:$0x19800] =	vst v63  }
0x7d: {  	_ =	swait.ge [sflag:s20], $0x4000  }
0x7e: {  	[sflag:s20] =	ssyncset.done $0x0  }
0x7f: {  	[sflag:s20] =	ssyncadd.s32 $0xFFFFC000  }
0x80: {  	[hbm4b:s25+s1] =	stream.linear.scatter [tilespmem:s9], [sflag:$0xC], $0x4000, $0x38;
	[tilespmem:$0x19800] =	vst v63  }
0x81: {  	s22 =	simm.s32 @!p0 $0x0;
	s23 =	simm.s32 @!p0 $0x18800;
	s24 =	simm.s32 @!p0 $0xF  }
0x82: {  	[tilespmem:s23], [sflag:$0xF] =	stream.linear.gather @!p0 [hbm4b:s29+s22], $0x1000, $0x38;
	[tilespmem:$0x19800] =	vst v63  }
0x83: {  	_ =	swait.ge @!p0 [sflag:s24], $0x1000  }
0x84: {  	[sflag:s24] =	ssyncset.done @!p0 $0x0  }
0x85: {  	[sflag:s24] =	ssyncadd.s32 @!p0 $0xFFFFF000  }
0x86: {  	[hbm4b:s30+s22] =	stream.linear.scatter @!p0 [tilespmem:s23], [sflag:$0x10], $0x1000, $0x38;
	[tilespmem:$0x19800] =	vst v63  }
0x87: {  	s22 =	simm.s32 @!p0 $0x10  }
0x88: {  	_ =	swait.ge @!p0 [sflag:s22], $0x1000  }
0x89: {  	s24 =	simm.s32 @!p1 $0xD;
	[sflag:s22] =	ssyncset.done @!p0 $0x0  }
0x8a: {  	s23 =	simm.s32 @!p1 $0x18000;
	[sflag:s22] =	ssyncadd.s32 @!p0 $0xFFFFF000;
	s22 =	simm.s32 @!p1 $0x0  }
0x8b: {  	[tilespmem:s23], [sflag:$0xD] =	stream.linear.gather @!p1 [hbm4b:s26+s22], $0x800, $0x38;
	[tilespmem:$0x19800] =	vst v63  }
0x8c: {  	_ =	swait.ge @!p1 [sflag:s24], $0x800  }
0x8d: {  	[sflag:s24] =	ssyncset.done @!p1 $0x0  }
0x8e: {  	[sflag:s24] =	ssyncadd.s32 @!p1 $0xFFFFF800  }
0x8f: {  	[hbm4b:s28+s22] =	stream.linear.scatter @!p1 [tilespmem:s23], [sflag:$0xE], $0x800, $0x38;
	[tilespmem:$0x19800] =	vst v63  }
0x90: {  	s22 =	simm.s32 @!p1 $0xE  }
0x91: {  	_ =	swait.ge @!p1 [sflag:s22], $0x800  }
0x92: {  	s24 =	simm.s32 @!p2 $0xF;
	[sflag:s22] =	ssyncset.done @!p1 $0x0  }
0x93: {  	s23 =	simm.s32 @!p2 $0x18800;
	[sflag:s22] =	ssyncadd.s32 @!p1 $0xFFFFF800;
	s22 =	simm.s32 @!p2 $0x0  }
0x94: {  	[tilespmem:s23], [sflag:$0xF] =	stream.linear.gather @!p2 [hbm4b:s2+s22], $0x1000, $0x38;
	[tilespmem:$0x19800] =	vst v63  }
0x95: {  	_ =	swait.ge @!p2 [sflag:s24], $0x1000  }
0x96: {  	[sflag:s24] =	ssyncset.done @!p2 $0x0  }
0x97: {  	[sflag:s24] =	ssyncadd.s32 @!p2 $0xFFFFF000  }
0x98: {  	[hbm4b:s3+s22] =	stream.linear.scatter @!p2 [tilespmem:s23], [sflag:$0x10], $0x1000, $0x38;
	[tilespmem:$0x19800] =	vst v63  }
0x99: {  	s22 =	simm.s32 @!p2 $0x10  }
0x9a: {  	_ =	swait.ge @!p2 [sflag:s22], $0x1000  }
0x9b: {  	s24 =	simm.s32 @!p3 $0xF;
	[sflag:s22] =	ssyncset.done @!p2 $0x0  }
0x9c: {  	s23 =	simm.s32 @!p3 $0x18800;
	[sflag:s22] =	ssyncadd.s32 @!p2 $0xFFFFF000;
	s22 =	simm.s32 @!p3 $0x0  }
0x9d: {  	[tilespmem:s23], [sflag:$0xF] =	stream.linear.gather @!p3 [hbm4b:s31+s22], $0x1000, $0x38;
	[tilespmem:$0x19800] =	vst v63  }
0x9e: {  	_ =	swait.ge @!p3 [sflag:s24], $0x1000  }
0x9f: {  	[sflag:s24] =	ssyncset.done @!p3 $0x0  }
0xa0: {  	[sflag:s24] =	ssyncadd.s32 @!p3 $0xFFFFF000  }
0xa1: {  	[hbm4b:s0+s22] =	stream.linear.scatter @!p3 [tilespmem:s23], [sflag:$0x10], $0x1000, $0x38;
	[tilespmem:$0x19800] =	vst v63  }
0xa2: {  	s22 =	simm.s32 @!p3 $0x10  }
0xa3: {  	_ =	swait.ge @!p3 [sflag:s22], $0x1000  }
0xa4: {  	[sflag:s22] =	ssyncset.done @!p3 $0x0  }
0xa5: {  	[sflag:s22] =	ssyncadd.s32 @!p3 $0xFFFFF000  }
0xa6: {  	_ =	swait.ge [sflag:s11], $0x4000  }
0xa7: {  	[sflag:s11] =	ssyncset.done $0x0  }
0xa8: {  	[sflag:s11] =	ssyncadd.s32 $0xFFFFC000  }
0xa9: {  	_ =	swait.ge [sflag:s13], $0x4000  }
0xaa: {  	[sflag:s13] =	ssyncset.done $0x0  }
0xab: {  	[sflag:s13] =	ssyncadd.s32 $0xFFFFC000  }
0xac: {  	_ =	swait.ge [sflag:s15], $0x4000  }
0xad: {  	[sflag:s15] =	ssyncset.done $0x0  }
0xae: {  	[sflag:s15] =	ssyncadd.s32 $0xFFFFC000  }
0xaf: {  	_ =	swait.ge [sflag:s17], $0x4000  }
0xb0: {  	[sflag:s17] =	ssyncset.done $0x0  }
0xb1: {  	s4 =	sadd.s32 $0xFFFFFFFF, s4;
	[sflag:s17] =	ssyncadd.s32 $0xFFFFC000  }
0xb2: {  	p4 =	sne.s32 s4, $0x0;
	_ =	swait.ge [sflag:s19], $0x4000  }
.Ltmp0:
0xb3: {  	[sflag:s19] =	ssyncset.done $0x0;
	(pc) =	sbr.rel @p4 .LBB2_1-.Ltmp0, $4  }
0xb4: {  	[sflag:s19] =	ssyncadd.s32 $0xFFFFC000  }
0xb5: {  	_ =	swait.ge [sflag:s21], $0x4000  }
0xb6: {  	[sflag:s21] =	ssyncset.done $0x0  }
0xb7: {  	[sflag:s21] =	ssyncadd.s32 $0xFFFFC000  }
0xb8: {  	_ =	sfence.sel $0x180000  }
0xb9: {  	[bflag:$0x0] =	sbarrier.arrive $0xFFFF  }
0xba: {  	_ =	strace $0x90000047  }
0xbb: {  	s0 =	stileid.u32;
	[bflag:$0x2] =	sbarrier.arrive $0xFFFF  }
0xbc: {  	p0 =	sne.s32 s0, $0x0;
	s0 =	rddreg [dreg:$0x2]  }
0xbd: {  	s0 =	sadd.s32 @!p0 $0x100000, s0  }
0xbe: {  	[sflag:s0] =	ssyncadd.tile.s32 @!p0 $0x1;
	_ =	shalt  }
.Lfunc_end2:
_tile_overlayer_lowered:
.L_overlay_start_2:
0xbf: {  	(tag) =	ssettag $0x2  }
0xc0: {  	s0 =	rddreg [dreg:$0x0];
	s2 =	stileid.u32  }
0xc1: {  	s1 =	rddreg [dreg:$0x1];
	p0 =	sne.s32 s2, $0x0  }
0xc2: {  	s3 =	rddreg [dreg:$0x2];
	[bflag:$0x3] =	sbarrier.arrive $0xFFFF;
	s2 =	simm.s32 @!p0 $0x1C11  }
0xc3: {  	[timem:s3], [sflag:s2] =	dma.local @!p0 [hbm:s0], s1  }
0xc4: {  	s0 =	simm.s32 @!p0 $0x11  }
0xc5: {  	_ =	swait.ge @!p0 [sflag:s0], s1  }
0xc6: {  	s1 =	ssub.s32 @!p0 $0x0, s1;
	[sflag:s0] =	ssyncset.done @!p0 $0x0  }
0xc7: {  	[sflag:s0] =	ssyncadd.s32 @!p0 s1  }
0xc8: {  	[bflag:$0x3] =	sbarrier.arrive $0xFFFF  }
0xc9: {  	_ =	shalt  }

</sc_bundles>
